<compile_context>
chip_gen: v7x
topology: tpu7x:2x2x1
jax: 0.10.2.dev20260603
libtpu: 0.0.44.dev20260713+nightly
codegen_flags: <defaults>
</compile_context>

<pallas_src>
import functools

import jax
import jax.numpy as jnp
from jax import lax
from jax.experimental import pallas as pl
from jax.experimental.pallas import tpu as pltpu
from jax.experimental.pallas import tpu_sc as plsc

BATCH = 16384
VOCAB = 1000000
EMB = 16

_NC = 2
_NS = 16
_NW = _NC * _NS
_BPW = BATCH // _NW

_RCHUNK = 65536
_RGRID = -(-VOCAB // _RCHUNK)
_VTILES = -(-VOCAB // 128)


def _repack_body(tu_ref, ti_ref, ou_ref, oi_ref):
    for src, dst in ((tu_ref, ou_ref), (ti_ref, oi_ref)):
        x = src[...]
        x4 = x.reshape(2, 8, _RCHUNK // 128, 128)
        dst[...] = jnp.transpose(x4, (0, 2, 1, 3))


def _repack(tu, ti):
    return pl.pallas_call(
        _repack_body,
        grid=(_RGRID,),
        in_specs=[
            pl.BlockSpec((EMB, _RCHUNK), lambda i: (0, i)),
            pl.BlockSpec((EMB, _RCHUNK), lambda i: (0, i)),
        ],
        out_specs=[
            pl.BlockSpec((2, _RCHUNK // 128, 8, 128), lambda i: (0, i, 0, 0)),
            pl.BlockSpec((2, _RCHUNK // 128, 8, 128), lambda i: (0, i, 0, 0)),
        ],
        out_shape=[
            jax.ShapeDtypeStruct((2, _VTILES, 8, 128), jnp.float32),
            jax.ShapeDtypeStruct((2, _VTILES, 8, 128), jnp.float32),
        ],
    )(tu, ti)


_GSTRIDE = _VTILES * 1024


def _gather_body(uid_hbm, iid_hbm, tpu_hbm, tpi_hbm, xt_hbm,
                 uidx, iidx, pbu, pbi, fidx, xbuft, sem):
    wid = lax.axis_index("s") * _NC + lax.axis_index("c")
    base = wid * _BPW
    pltpu.sync_copy(uid_hbm.at[pl.ds(base, _BPW)], uidx)
    pltpu.sync_copy(iid_hbm.at[pl.ds(base, _BPW)], iidx)

    def prep(g, carry):
        s = pl.ds(g * 16, 16)
        u = uidx[s]
        pu = lax.shift_right_logical(u, 7) * 1024 + (u & 127)
        pbu[s] = pu
        v = iidx[s]
        pv = lax.shift_right_logical(v, 7) * 1024 + (v & 127)
        pbi[s] = pv
        for f in range(EMB):
            off = (f // 8) * _GSTRIDE + (f % 8) * 128
            fidx[f, s] = pu + off
            fidx[EMB + f, s] = pv + off
        return carry

    lax.fori_loop(0, _BPW // 16, prep, 0)

    copies = []
    for f in range(EMB):
        copies.append(
            pltpu.async_copy(tpu_hbm.at[fidx.at[f]], xbuft.at[f], sem))
        copies.append(
            pltpu.async_copy(tpi_hbm.at[fidx.at[EMB + f]],
                             xbuft.at[EMB + f], sem))
    for cp in copies:
        cp.wait()
    pltpu.sync_copy(xbuft, xt_hbm.at[:, pl.ds(base, _BPW)])


@jax.jit
def _sc_gather(user_id, item_id, tpu_flat, tpi_flat):
    mesh = plsc.VectorSubcoreMesh(core_axis_name="c", subcore_axis_name="s")
    f = functools.partial(
        pl.kernel,
        mesh=mesh,
        compiler_params=pltpu.CompilerParams(use_tc_tiling_on_sc=False),
        out_type=jax.ShapeDtypeStruct((2 * EMB, BATCH), jnp.float32),
        scratch_types=[
            pltpu.VMEM((_BPW,), jnp.int32),
            pltpu.VMEM((_BPW,), jnp.int32),
            pltpu.VMEM((_BPW,), jnp.int32),
            pltpu.VMEM((_BPW,), jnp.int32),
            pltpu.VMEM((2 * EMB, _BPW), jnp.int32),
            pltpu.VMEM((2 * EMB, _BPW), jnp.float32),
            pltpu.SemaphoreType.DMA,
        ],
    )(_gather_body)
    return f(user_id, item_id, tpu_flat, tpi_flat)


def _mlp_body(xt_ref, w1t_ref, b1_ref, w2t_ref, b2_ref, w3t_ref, b3_ref,
              out_ref):
    x = xt_ref[...]
    h = jax.lax.dot_general(w1t_ref[...], x, (((1,), (0,)), ((), ())),
                            preferred_element_type=jnp.float32) + b1_ref[...]
    h = jnp.maximum(h, 0.0)
    h2 = jax.lax.dot_general(w2t_ref[...], h, (((1,), (0,)), ((), ())),
                             preferred_element_type=jnp.float32) + b2_ref[...]
    h2 = jnp.maximum(h2, 0.0)
    o = jax.lax.dot_general(w3t_ref[...], h2, (((1,), (0,)), ((), ())),
                            preferred_element_type=jnp.float32) + b3_ref[...]
    out_ref[...] = jax.nn.sigmoid(o)


_MLP_BS = 2048


@jax.jit
def _tc_mlp(xt, W1, b1, W2, b2, W3, b3):
    w1t = W1.T
    w2t = W2.T
    w3t = W3.T
    b1r = b1.reshape(-1, 1)
    b2r = b2.reshape(-1, 1)
    b3r = b3.reshape(-1, 1)
    nblk = BATCH // _MLP_BS
    full = lambda i: (0, 0)
    return pl.pallas_call(
        _mlp_body,
        grid=(nblk,),
        in_specs=[
            pl.BlockSpec((2 * EMB, _MLP_BS), lambda i: (0, i)),
            pl.BlockSpec(w1t.shape, full),
            pl.BlockSpec(b1r.shape, full),
            pl.BlockSpec(w2t.shape, full),
            pl.BlockSpec(b2r.shape, full),
            pl.BlockSpec(w3t.shape, full),
            pl.BlockSpec(b3r.shape, full),
        ],
        out_specs=pl.BlockSpec((1, _MLP_BS), lambda i: (0, i)),
        out_shape=jax.ShapeDtypeStruct((1, BATCH), jnp.float32),
    )(xt, w1t, b1r, w2t, b2r, w3t, b3r)


def kernel(input, emb_user, emb_item, W1, b1, W2, b2, W3, b3):
    user_id = input[:, 0].astype(jnp.int32)
    item_id = input[:, 1].astype(jnp.int32)
    rating = input[:, 2].astype(jnp.float32)
    tpu_, tpi_ = _repack(emb_user.T, emb_item.T)
    xt = _sc_gather(user_id, item_id,
                    tpu_.reshape(2 * _GSTRIDE), tpi_.reshape(2 * _GSTRIDE))
    mlpt = _tc_mlp(xt, W1, b1, W2, b2, W3, b3)
    return (rating, mlpt.reshape(BATCH, 1))

# --- scband reference (transcript-rebuilt; emitter-appended) ---
"""Pipeline reference for scband-ncf-2456721293470 (READ-ONLY COPY).

The authoritative reference and input builder live on the scoring server;
editing this copy changes nothing except your own understanding.
"""

import jax, jax.numpy as jnp
import numpy as np

BATCH = 16384
VOCAB = 1000000
EMB = 16
MLP_IN = EMB * 2  # 32
H1 = MLP_IN       # 32
H2 = MLP_IN // 2  # 16


def setup_inputs(seed: int = 0) -> dict:
    key = jax.random.key(seed)
    k_inp, k_eu, k_ei, k_w1, k_b1, k_w2, k_b2, k_w3, k_b3 = jax.random.split(key, 9)
    inp = jax.random.randint(k_inp, (BATCH, 3), 0, VOCAB, dtype=jnp.int32)
    emb_user = jax.random.normal(k_eu, (VOCAB, EMB), dtype=jnp.float32) * 0.01
    emb_item = jax.random.normal(k_ei, (VOCAB, EMB), dtype=jnp.float32) * 0.01
    W1 = jax.random.normal(k_w1, (MLP_IN, H1), dtype=jnp.float32) * (1.0 / np.sqrt(MLP_IN))
    b1 = jnp.zeros((H1,), dtype=jnp.float32)
    W2 = jax.random.normal(k_w2, (H1, H2), dtype=jnp.float32) * (1.0 / np.sqrt(H1))
    b2 = jnp.zeros((H2,), dtype=jnp.float32)
    W3 = jax.random.normal(k_w3, (H2, 1), dtype=jnp.float32) * (1.0 / np.sqrt(H2))
    b3 = jnp.zeros((1,), dtype=jnp.float32)
    return {"input": inp, "emb_user": emb_user, "emb_item": emb_item,
            "W1": W1, "b1": b1, "W2": W2, "b2": b2, "W3": W3, "b3": b3}


def reference(input, emb_user, emb_item, W1, b1, W2, b2, W3, b3):
    # input: [B, 3] -> user_id, item_id, rating
    user_id = input[:, 0].astype(jnp.int32)
    item_id = input[:, 1].astype(jnp.int32)
    rating = input[:, 2].astype(jnp.float32)
    # embedding lookups (SparseCore gather)
    eu = jnp.take(emb_user, user_id, axis=0)  # [B, EMB]
    ei = jnp.take(emb_item, item_id, axis=0)  # [B, EMB]
    # concatenate along feature dim (squeeze of the len-1 lookup axis is implicit here)
    x = jnp.concatenate([eu, ei], axis=-1)    # [B, 2*EMB]
    # MLP (dropout is identity at inference)
    h = jax.nn.relu(x @ W1 + b1)
    h = jax.nn.relu(h @ W2 + b2)
    mlp_output = jax.nn.sigmoid(h @ W3 + b3)  # [B, 1]
    return (rating, mlp_output)

if __name__ == "__main__":
    import jax
    _d = setup_inputs()
    print(jax.jit(kernel)(*tuple(_d.values())))

</pallas_src>

<mosaic_0001>
#map = affine_map<(d0, d1) -> (0)>
#map1 = affine_map<(d0, d1) -> (0, 0)>
module attributes {stable_mosaic.version = 14 : i64} {
  func.func @_gather_body(%arg0: i32, %arg1: i32, %arg2: memref<16384xi32, #tpu.memory_space<hbm>>, %arg3: memref<16384xi32, #tpu.memory_space<hbm>>, %arg4: memref<16001024xf32, #tpu.memory_space<hbm>>, %arg5: memref<16001024xf32, #tpu.memory_space<hbm>>, %arg6: memref<32x16384xf32, #tpu.memory_space<hbm>>, %arg7: memref<512xi32, #tpu.memory_space<vmem>>, %arg8: memref<512xi32, #tpu.memory_space<vmem>>, %arg9: memref<512xi32, #tpu.memory_space<vmem>>, %arg10: memref<512xi32, #tpu.memory_space<vmem>>, %arg11: memref<32x512xi32, #tpu.memory_space<vmem>>, %arg12: memref<32x512xf32, #tpu.memory_space<vmem>>, %arg13: memref<!tpu.dma_semaphore, #tpu.memory_space<semaphore_mem>>) attributes {dimension_semantics = [#tpu.dimension_semantics<core_parallel>, #tpu.dimension_semantics<subcore_parallel>], iteration_bounds = array<i64: 2, 16>, scalar_prefetch = 0 : i64, scratch_operands = 7 : i64, tpu.core_type = #tpu.core_type<sc_vector_subcore>, window_params = [{transform_indices = #map}, {transform_indices = #map}, {transform_indices = #map}, {transform_indices = #map}, {transform_indices = #map1}]} {
    %mul3A = arith.constant 2 : i32
    %mul3A_0 = arith.muli %arg1, %mul3A : i32
    %add3A = arith.addi %mul3A_0, %arg0 : i32
    %mul3A_1 = arith.constant 512 : i32
    %mul3A_2 = arith.muli %add3A, %mul3A_1 : i32
    "tpu.region"() ({
      %run_scoped3A = tpu.sem_alloc : memref<!tpu.dma_semaphore, #tpu.memory_space<semaphore_mem>>
      %dma_start3A_646 = tpu.memref_slice %arg2[%mul3A_2] : memref<16384xi32, #tpu.memory_space<hbm>> -> memref<512xi32, #tpu.memory_space<hbm>>
      %dma_start3A_647 = tpu.memref_slice %arg2[%mul3A_2] : memref<16384xi32, #tpu.memory_space<hbm>> -> memref<512xi32, #tpu.memory_space<hbm>>
      tpu.enqueue_dma source(%dma_start3A_647 : memref<512xi32, #tpu.memory_space<hbm>>) target(%arg7 : memref<512xi32, #tpu.memory_space<vmem>>) target_semaphore(%run_scoped3A : memref<!tpu.dma_semaphore, #tpu.memory_space<semaphore_mem>>)
      %dma_wait3A_648 = tpu.memref_slice %arg2[%mul3A_2] : memref<16384xi32, #tpu.memory_space<hbm>> -> memref<512xi32, #tpu.memory_space<hbm>>
      %dma_wait3A_649 = tpu.memref_slice %arg2[%mul3A_2] : memref<16384xi32, #tpu.memory_space<hbm>> -> memref<512xi32, #tpu.memory_space<hbm>>
      tpu.wait_dma2 semaphore(%run_scoped3A : memref<!tpu.dma_semaphore, #tpu.memory_space<semaphore_mem>>) src(%dma_wait3A_649 : memref<512xi32, #tpu.memory_space<hbm>>) dst(%arg7 : memref<512xi32, #tpu.memory_space<vmem>>)
      tpu.yield
    }) : () -> ()
    "tpu.region"() ({
      %run_scoped3A = tpu.sem_alloc : memref<!tpu.dma_semaphore, #tpu.memory_space<semaphore_mem>>
      %dma_start3A_646 = tpu.memref_slice %arg3[%mul3A_2] : memref<16384xi32, #tpu.memory_space<hbm>> -> memref<512xi32, #tpu.memory_space<hbm>>
      %dma_start3A_647 = tpu.memref_slice %arg3[%mul3A_2] : memref<16384xi32, #tpu.memory_space<hbm>> -> memref<512xi32, #tpu.memory_space<hbm>>
      tpu.enqueue_dma source(%dma_start3A_647 : memref<512xi32, #tpu.memory_space<hbm>>) target(%arg8 : memref<512xi32, #tpu.memory_space<vmem>>) target_semaphore(%run_scoped3A : memref<!tpu.dma_semaphore, #tpu.memory_space<semaphore_mem>>)
      %dma_wait3A_648 = tpu.memref_slice %arg3[%mul3A_2] : memref<16384xi32, #tpu.memory_space<hbm>> -> memref<512xi32, #tpu.memory_space<hbm>>
      %dma_wait3A_649 = tpu.memref_slice %arg3[%mul3A_2] : memref<16384xi32, #tpu.memory_space<hbm>> -> memref<512xi32, #tpu.memory_space<hbm>>
      tpu.wait_dma2 semaphore(%run_scoped3A : memref<!tpu.dma_semaphore, #tpu.memory_space<semaphore_mem>>) src(%dma_wait3A_649 : memref<512xi32, #tpu.memory_space<hbm>>) dst(%arg8 : memref<512xi32, #tpu.memory_space<vmem>>)
      tpu.yield
    }) : () -> ()
    %scan3A = arith.constant 0 : i32
    %scan3A_3 = arith.constant 0 : i32
    %scan3A_4 = arith.constant 32 : i32
    %scan3A_5 = arith.addi %scan3A_3, %scan3A_4 : i32
    %scan3A_6 = arith.constant 1 : i32
    scf.for %scan3A_646 = %scan3A_3 to %scan3A_5 step %scan3A_6  : i32 {
      %mul3A_647 = arith.constant 16 : i32
      %mul3A_648 = arith.muli %scan3A_646, %mul3A_647 : i32
      %get3A = arith.index_cast %mul3A_648 : i32 to index
      %get3A_649 = tpu.vector_load %arg7[%get3A] {strides = array<i32>} : memref<512xi32, #tpu.memory_space<vmem>>, vector<16xi32>,
      %get3A_650 = vector.shape_cast %get3A_649 : vector<16xi32> to vector<16xi32>
      %shift_right_logical3A = arith.constant 7 : i32
      %shift_right_logical3A_651 = vector.broadcast %shift_right_logical3A : i32 to vector<16xi32>
      %shift_right_logical3A_652 = arith.shrui %get3A_650, %shift_right_logical3A_651 : vector<16xi32>
      %mul3A_653 = arith.constant 1024 : i32
      %mul3A_654 = vector.broadcast %mul3A_653 : i32 to vector<16xi32>
      %mul3A_655 = arith.muli %shift_right_logical3A_652, %mul3A_654 : vector<16xi32>
      %and3A = arith.constant 127 : i32
      %and3A_656 = vector.broadcast %and3A : i32 to vector<16xi32>
      %and3A_657 = arith.andi %get3A_650, %and3A_656 : vector<16xi32>
      %add3A_658 = arith.addi %mul3A_655, %and3A_657 : vector<16xi32>
      %swap3A = arith.index_cast %mul3A_648 : i32 to index
      %swap3A_659 = tpu.vector_load %arg9[%swap3A] {strides = array<i32>} : memref<512xi32, #tpu.memory_space<vmem>>, vector<16xi32>,
      %swap3A_660 = vector.shape_cast %swap3A_659 : vector<16xi32> to vector<16xi32>
      %swap3A_661 = vector.shape_cast %add3A_658 : vector<16xi32> to vector<16xi32>
      tpu.vector_store %arg9[%swap3A], %swap3A_661 {strides = array<i32>} : memref<512xi32, #tpu.memory_space<vmem>>, vector<16xi32>,
      %get3A_662 = arith.index_cast %mul3A_648 : i32 to index
      %get3A_663 = tpu.vector_load %arg8[%get3A_662] {strides = array<i32>} : memref<512xi32, #tpu.memory_space<vmem>>, vector<16xi32>,
      %get3A_664 = vector.shape_cast %get3A_663 : vector<16xi32> to vector<16xi32>
      %shift_right_logical3A_665 = arith.constant 7 : i32
      %shift_right_logical3A_666 = vector.broadcast %shift_right_logical3A_665 : i32 to vector<16xi32>
      %shift_right_logical3A_667 = arith.shrui %get3A_664, %shift_right_logical3A_666 : vector<16xi32>
      %mul3A_668 = arith.constant 1024 : i32
      %mul3A_669 = vector.broadcast %mul3A_668 : i32 to vector<16xi32>
      %mul3A_670 = arith.muli %shift_right_logical3A_667, %mul3A_669 : vector<16xi32>
      %and3A_671 = arith.constant 127 : i32
      %and3A_672 = vector.broadcast %and3A_671 : i32 to vector<16xi32>
      %and3A_673 = arith.andi %get3A_664, %and3A_672 : vector<16xi32>
      %add3A_674 = arith.addi %mul3A_670, %and3A_673 : vector<16xi32>
      %swap3A_675 = arith.index_cast %mul3A_648 : i32 to index
      %swap3A_676 = tpu.vector_load %arg10[%swap3A_675] {strides = array<i32>} : memref<512xi32, #tpu.memory_space<vmem>>, vector<16xi32>,
      %swap3A_677 = vector.shape_cast %swap3A_676 : vector<16xi32> to vector<16xi32>
      %swap3A_678 = vector.shape_cast %add3A_674 : vector<16xi32> to vector<16xi32>
      tpu.vector_store %arg10[%swap3A_675], %swap3A_678 {strides = array<i32>} : memref<512xi32, #tpu.memory_space<vmem>>, vector<16xi32>,
      %add3A_679 = arith.constant 0 : i32
      %add3A_680 = vector.broadcast %add3A_679 : i32 to vector<16xi32>
      %add3A_681 = arith.addi %add3A_658, %add3A_680 : vector<16xi32>
      %swap3A_682 = arith.constant 0 : i32
      %swap3A_683 = arith.index_cast %swap3A_682 : i32 to index
      %swap3A_684 = arith.index_cast %mul3A_648 : i32 to index
      %swap3A_685 = tpu.vector_load %arg11[%swap3A_683, %swap3A_684] {strides = array<i32>} : memref<32x512xi32, #tpu.memory_space<vmem>>, vector<1x16xi32>,
      %swap3A_686 = vector.shape_cast %swap3A_685 : vector<1x16xi32> to vector<16xi32>
      %swap3A_687 = vector.shape_cast %add3A_681 : vector<16xi32> to vector<1x16xi32>
      tpu.vector_store %arg11[%swap3A_683, %swap3A_684], %swap3A_687 {strides = array<i32>} : memref<32x512xi32, #tpu.memory_space<vmem>>, vector<1x16xi32>,
      %add3A_688 = arith.constant 0 : i32
      %add3A_689 = vector.broadcast %add3A_688 : i32 to vector<16xi32>
      %add3A_690 = arith.addi %add3A_674, %add3A_689 : vector<16xi32>
      %swap3A_691 = arith.constant 16 : i32
      %swap3A_692 = arith.index_cast %swap3A_691 : i32 to index
      %swap3A_693 = arith.index_cast %mul3A_648 : i32 to index
      %swap3A_694 = tpu.vector_load %arg11[%swap3A_692, %swap3A_693] {strides = array<i32>} : memref<32x512xi32, #tpu.memory_space<vmem>>, vector<1x16xi32>,
      %swap3A_695 = vector.shape_cast %swap3A_694 : vector<1x16xi32> to vector<16xi32>
      %swap3A_696 = vector.shape_cast %add3A_690 : vector<16xi32> to vector<1x16xi32>
      tpu.vector_store %arg11[%swap3A_692, %swap3A_693], %swap3A_696 {strides = array<i32>} : memref<32x512xi32, #tpu.memory_space<vmem>>, vector<1x16xi32>,
      %add3A_697 = arith.constant 128 : i32
      %add3A_698 = vector.broadcast %add3A_697 : i32 to vector<16xi32>
      %add3A_699 = arith.addi %add3A_658, %add3A_698 : vector<16xi32>
      %swap3A_700 = arith.constant 1 : i32
      %swap3A_701 = arith.index_cast %swap3A_700 : i32 to index
      %swap3A_702 = arith.index_cast %mul3A_648 : i32 to index
      %swap3A_703 = tpu.vector_load %arg11[%swap3A_701, %swap3A_702] {strides = array<i32>} : memref<32x512xi32, #tpu.memory_space<vmem>>, vector<1x16xi32>,
      %swap3A_704 = vector.shape_cast %swap3A_703 : vector<1x16xi32> to vector<16xi32>
      %swap3A_705 = vector.shape_cast %add3A_699 : vector<16xi32> to vector<1x16xi32>
      tpu.vector_store %arg11[%swap3A_701, %swap3A_702], %swap3A_705 {strides = array<i32>} : memref<32x512xi32, #tpu.memory_space<vmem>>, vector<1x16xi32>,
      %add3A_706 = arith.constant 128 : i32
      %add3A_707 = vector.broadcast %add3A_706 : i32 to vector<16xi32>
      %add3A_708 = arith.addi %add3A_674, %add3A_707 : vector<16xi32>
      %swap3A_709 = arith.constant 17 : i32
      %swap3A_710 = arith.index_cast %swap3A_709 : i32 to index
      %swap3A_711 = arith.index_cast %mul3A_648 : i32 to index
      %swap3A_712 = tpu.vector_load %arg11[%swap3A_710, %swap3A_711] {strides = array<i32>} : memref<32x512xi32, #tpu.memory_space<vmem>>, vector<1x16xi32>,
      %swap3A_713 = vector.shape_cast %swap3A_712 : vector<1x16xi32> to vector<16xi32>
      %swap3A_714 = vector.shape_cast %add3A_708 : vector<16xi32> to vector<1x16xi32>
      tpu.vector_store %arg11[%swap3A_710, %swap3A_711], %swap3A_714 {strides = array<i32>} : memref<32x512xi32, #tpu.memory_space<vmem>>, vector<1x16xi32>,
      %add3A_715 = arith.constant 256 : i32
      %add3A_716 = vector.broadcast %add3A_715 : i32 to vector<16xi32>
      %add3A_717 = arith.addi %add3A_658, %add3A_716 : vector<16xi32>
      %swap3A_718 = arith.constant 2 : i32
      %swap3A_719 = arith.index_cast %swap3A_718 : i32 to index
      %swap3A_720 = arith.index_cast %mul3A_648 : i32 to index
      %swap3A_721 = tpu.vector_load %arg11[%swap3A_719, %swap3A_720] {strides = array<i32>} : memref<32x512xi32, #tpu.memory_space<vmem>>, vector<1x16xi32>,
      %swap3A_722 = vector.shape_cast %swap3A_721 : vector<1x16xi32> to vector<16xi32>
      %swap3A_723 = vector.shape_cast %add3A_717 : vector<16xi32> to vector<1x16xi32>
      tpu.vector_store %arg11[%swap3A_719, %swap3A_720], %swap3A_723 {strides = array<i32>} : memref<32x512xi32, #tpu.memory_space<vmem>>, vector<1x16xi32>,
      %add3A_724 = arith.constant 256 : i32
      %add3A_725 = vector.broadcast %add3A_724 : i32 to vector<16xi32>
      %add3A_726 = arith.addi %add3A_674, %add3A_725 : vector<16xi32>
      %swap3A_727 = arith.constant 18 : i32
      %swap3A_728 = arith.index_cast %swap3A_727 : i32 to index
      %swap3A_729 = arith.index_cast %mul3A_648 : i32 to index
      %swap3A_730 = tpu.vector_load %arg11[%swap3A_728, %swap3A_729] {strides = array<i32>} : memref<32x512xi32, #tpu.memory_space<vmem>>, vector<1x16xi32>,
      %swap3A_731 = vector.shape_cast %swap3A_730 : vector<1x16xi32> to vector<16xi32>
      %swap3A_732 = vector.shape_cast %add3A_726 : vector<16xi32> to vector<1x16xi32>
      tpu.vector_store %arg11[%swap3A_728, %swap3A_729], %swap3A_732 {strides = array<i32>} : memref<32x512xi32, #tpu.memory_space<vmem>>, vector<1x16xi32>,
      %add3A_733 = arith.constant 384 : i32
      %add3A_734 = vector.broadcast %add3A_733 : i32 to vector<16xi32>
      %add3A_735 = arith.addi %add3A_658, %add3A_734 : vector<16xi32>
      %swap3A_736 = arith.constant 3 : i32
      %swap3A_737 = arith.index_cast %swap3A_736 : i32 to index
      %swap3A_738 = arith.index_cast %mul3A_648 : i32 to index
      %swap3A_739 = tpu.vector_load %arg11[%swap3A_737, %swap3A_738] {strides = array<i32>} : memref<32x512xi32, #tpu.memory_space<vmem>>, vector<1x16xi32>,
      %swap3A_740 = vector.shape_cast %swap3A_739 : vector<1x16xi32> to vector<16xi32>
      %swap3A_741 = vector.shape_cast %add3A_735 : vector<16xi32> to vector<1x16xi32>
      tpu.vector_store %arg11[%swap3A_737, %swap3A_738], %swap3A_741 {strides = array<i32>} : memref<32x512xi32, #tpu.memory_space<vmem>>, vector<1x16xi32>,
      %add3A_742 = arith.constant 384 : i32
      %add3A_743 = vector.broadcast %add3A_742 : i32 to vector<16xi32>
      %add3A_744 = arith.addi %add3A_674, %add3A_743 : vector<16xi32>
      %swap3A_745 = arith.constant 19 : i32
      %swap3A_746 = arith.index_cast %swap3A_745 : i32 to index
      %swap3A_747 = arith.index_cast %mul3A_648 : i32 to index
      %swap3A_748 = tpu.vector_load %arg11[%swap3A_746, %swap3A_747] {strides = array<i32>} : memref<32x512xi32, #tpu.memory_space<vmem>>, vector<1x16xi32>,
      %swap3A_749 = vector.shape_cast %swap3A_748 : vector<1x16xi32> to vector<16xi32>
      %swap3A_750 = vector.shape_cast %add3A_744 : vector<16xi32> to vector<1x16xi32>
      tpu.vector_store %arg11[%swap3A_746, %swap3A_747], %swap3A_750 {strides = array<i32>} : memref<32x512xi32, #tpu.memory_space<vmem>>, vector<1x16xi32>,
      %add3A_751 = arith.constant 512 : i32
      %add3A_752 = vector.broadcast %add3A_751 : i32 to vector<16xi32>
      %add3A_753 = arith.addi %add3A_658, %add3A_752 : vector<16xi32>
      %swap3A_754 = arith.constant 4 : i32
      %swap3A_755 = arith.index_cast %swap3A_754 : i32 to index
      %swap3A_756 = arith.index_cast %mul3A_648 : i32 to index
      %swap3A_757 = tpu.vector_load %arg11[%swap3A_755, %swap3A_756] {strides = array<i32>} : memref<32x512xi32, #tpu.memory_space<vmem>>, vector<1x16xi32>,
      %swap3A_758 = vector.shape_cast %swap3A_757 : vector<1x16xi32> to vector<16xi32>
      %swap3A_759 = vector.shape_cast %add3A_753 : vector<16xi32> to vector<1x16xi32>
      tpu.vector_store %arg11[%swap3A_755, %swap3A_756], %swap3A_759 {strides = array<i32>} : memref<32x512xi32, #tpu.memory_space<vmem>>, vector<1x16xi32>,
      %add3A_760 = arith.constant 512 : i32
      %add3A_761 = vector.broadcast %add3A_760 : i32 to vector<16xi32>
      %add3A_762 = arith.addi %add3A_674, %add3A_761 : vector<16xi32>
      %swap3A_763 = arith.constant 20 : i32
      %swap3A_764 = arith.index_cast %swap3A_763 : i32 to index
      %swap3A_765 = arith.index_cast %mul3A_648 : i32 to index
      %swap3A_766 = tpu.vector_load %arg11[%swap3A_764, %swap3A_765] {strides = array<i32>} : memref<32x512xi32, #tpu.memory_space<vmem>>, vector<1x16xi32>,
      %swap3A_767 = vector.shape_cast %swap3A_766 : vector<1x16xi32> to vector<16xi32>
      %swap3A_768 = vector.shape_cast %add3A_762 : vector<16xi32> to vector<1x16xi32>
      tpu.vector_store %arg11[%swap3A_764, %swap3A_765], %swap3A_768 {strides = array<i32>} : memref<32x512xi32, #tpu.memory_space<vmem>>, vector<1x16xi32>,
      %add3A_769 = arith.constant 640 : i32
      %add3A_770 = vector.broadcast %add3A_769 : i32 to vector<16xi32>
      %add3A_771 = arith.addi %add3A_658, %add3A_770 : vector<16xi32>
      %swap3A_772 = arith.constant 5 : i32
      %swap3A_773 = arith.index_cast %swap3A_772 : i32 to index
      %swap3A_774 = arith.index_cast %mul3A_648 : i32 to index
      %swap3A_775 = tpu.vector_load %arg11[%swap3A_773, %swap3A_774] {strides = array<i32>} : memref<32x512xi32, #tpu.memory_space<vmem>>, vector<1x16xi32>,
      %swap3A_776 = vector.shape_cast %swap3A_775 : vector<1x16xi32> to vector<16xi32>
      %swap3A_777 = vector.shape_cast %add3A_771 : vector<16xi32> to vector<1x16xi32>
      tpu.vector_store %arg11[%swap3A_773, %swap3A_774], %swap3A_777 {strides = array<i32>} : memref<32x512xi32, #tpu.memory_space<vmem>>, vector<1x16xi32>,
      %add3A_778 = arith.constant 640 : i32
      %add3A_779 = vector.broadcast %add3A_778 : i32 to vector<16xi32>
      %add3A_780 = arith.addi %add3A_674, %add3A_779 : vector<16xi32>
      %swap3A_781 = arith.constant 21 : i32
      %swap3A_782 = arith.index_cast %swap3A_781 : i32 to index
      %swap3A_783 = arith.index_cast %mul3A_648 : i32 to index
      %swap3A_784 = tpu.vector_load %arg11[%swap3A_782, %swap3A_783] {strides = array<i32>} : memref<32x512xi32, #tpu.memory_space<vmem>>, vector<1x16xi32>,
      %swap3A_785 = vector.shape_cast %swap3A_784 : vector<1x16xi32> to vector<16xi32>
      %swap3A_786 = vector.shape_cast %add3A_780 : vector<16xi32> to vector<1x16xi32>
      tpu.vector_store %arg11[%swap3A_782, %swap3A_783], %swap3A_786 {strides = array<i32>} : memref<32x512xi32, #tpu.memory_space<vmem>>, vector<1x16xi32>,
      %add3A_787 = arith.constant 768 : i32
      %add3A_788 = vector.broadcast %add3A_787 : i32 to vector<16xi32>
      %add3A_789 = arith.addi %add3A_658, %add3A_788 : vector<16xi32>
      %swap3A_790 = arith.constant 6 : i32
      %swap3A_791 = arith.index_cast %swap3A_790 : i32 to index
      %swap3A_792 = arith.index_cast %mul3A_648 : i32 to index
      %swap3A_793 = tpu.vector_load %arg11[%swap3A_791, %swap3A_792] {strides = array<i32>} : memref<32x512xi32, #tpu.memory_space<vmem>>, vector<1x16xi32>,
      %swap3A_794 = vector.shape_cast %swap3A_793 : vector<1x16xi32> to vector<16xi32>
      %swap3A_795 = vector.shape_cast %add3A_789 : vector<16xi32> to vector<1x16xi32>
      tpu.vector_store %arg11[%swap3A_791, %swap3A_792], %swap3A_795 {strides = array<i32>} : memref<32x512xi32, #tpu.memory_space<vmem>>, vector<1x16xi32>,
      %add3A_796 = arith.constant 768 : i32
      %add3A_797 = vector.broadcast %add3A_796 : i32 to vector<16xi32>
      %add3A_798 = arith.addi %add3A_674, %add3A_797 : vector<16xi32>
      %swap3A_799 = arith.constant 22 : i32
      %swap3A_800 = arith.index_cast %swap3A_799 : i32 to index
      %swap3A_801 = arith.index_cast %mul3A_648 : i32 to index
      %swap3A_802 = tpu.vector_load %arg11[%swap3A_800, %swap3A_801] {strides = array<i32>} : memref<32x512xi32, #tpu.memory_space<vmem>>, vector<1x16xi32>,
      %swap3A_803 = vector.shape_cast %swap3A_802 : vector<1x16xi32> to vector<16xi32>
      %swap3A_804 = vector.shape_cast %add3A_798 : vector<16xi32> to vector<1x16xi32>
      tpu.vector_store %arg11[%swap3A_800, %swap3A_801], %swap3A_804 {strides = array<i32>} : memref<32x512xi32, #tpu.memory_space<vmem>>, vector<1x16xi32>,
      %add3A_805 = arith.constant 896 : i32
      %add3A_806 = vector.broadcast %add3A_805 : i32 to vector<16xi32>
      %add3A_807 = arith.addi %add3A_658, %add3A_806 : vector<16xi32>
      %swap3A_808 = arith.constant 7 : i32
      %swap3A_809 = arith.index_cast %swap3A_808 : i32 to index
      %swap3A_810 = arith.index_cast %mul3A_648 : i32 to index
      %swap3A_811 = tpu.vector_load %arg11[%swap3A_809, %swap3A_810] {strides = array<i32>} : memref<32x512xi32, #tpu.memory_space<vmem>>, vector<1x16xi32>,
      %swap3A_812 = vector.shape_cast %swap3A_811 : vector<1x16xi32> to vector<16xi32>
      %swap3A_813 = vector.shape_cast %add3A_807 : vector<16xi32> to vector<1x16xi32>
      tpu.vector_store %arg11[%swap3A_809, %swap3A_810], %swap3A_813 {strides = array<i32>} : memref<32x512xi32, #tpu.memory_space<vmem>>, vector<1x16xi32>,
      %add3A_814 = arith.constant 896 : i32
      %add3A_815 = vector.broadcast %add3A_814 : i32 to vector<16xi32>
      %add3A_816 = arith.addi %add3A_674, %add3A_815 : vector<16xi32>
      %swap3A_817 = arith.constant 23 : i32
      %swap3A_818 = arith.index_cast %swap3A_817 : i32 to index
      %swap3A_819 = arith.index_cast %mul3A_648 : i32 to index
      %swap3A_820 = tpu.vector_load %arg11[%swap3A_818, %swap3A_819] {strides = array<i32>} : memref<32x512xi32, #tpu.memory_space<vmem>>, vector<1x16xi32>,
      %swap3A_821 = vector.shape_cast %swap3A_820 : vector<1x16xi32> to vector<16xi32>
      %swap3A_822 = vector.shape_cast %add3A_816 : vector<16xi32> to vector<1x16xi32>
      tpu.vector_store %arg11[%swap3A_818, %swap3A_819], %swap3A_822 {strides = array<i32>} : memref<32x512xi32, #tpu.memory_space<vmem>>, vector<1x16xi32>,
      %add3A_823 = arith.constant 8000512 : i32
      %add3A_824 = vector.broadcast %add3A_823 : i32 to vector<16xi32>
      %add3A_825 = arith.addi %add3A_658, %add3A_824 : vector<16xi32>
      %swap3A_826 = arith.constant 8 : i32
      %swap3A_827 = arith.index_cast %swap3A_826 : i32 to index
      %swap3A_828 = arith.index_cast %mul3A_648 : i32 to index
      %swap3A_829 = tpu.vector_load %arg11[%swap3A_827, %swap3A_828] {strides = array<i32>} : memref<32x512xi32, #tpu.memory_space<vmem>>, vector<1x16xi32>,
      %swap3A_830 = vector.shape_cast %swap3A_829 : vector<1x16xi32> to vector<16xi32>
      %swap3A_831 = vector.shape_cast %add3A_825 : vector<16xi32> to vector<1x16xi32>
      tpu.vector_store %arg11[%swap3A_827, %swap3A_828], %swap3A_831 {strides = array<i32>} : memref<32x512xi32, #tpu.memory_space<vmem>>, vector<1x16xi32>,
      %add3A_832 = arith.constant 8000512 : i32
      %add3A_833 = vector.broadcast %add3A_832 : i32 to vector<16xi32>
      %add3A_834 = arith.addi %add3A_674, %add3A_833 : vector<16xi32>
      %swap3A_835 = arith.constant 24 : i32
      %swap3A_836 = arith.index_cast %swap3A_835 : i32 to index
      %swap3A_837 = arith.index_cast %mul3A_648 : i32 to index
      %swap3A_838 = tpu.vector_load %arg11[%swap3A_836, %swap3A_837] {strides = array<i32>} : memref<32x512xi32, #tpu.memory_space<vmem>>, vector<1x16xi32>,
      %swap3A_839 = vector.shape_cast %swap3A_838 : vector<1x16xi32> to vector<16xi32>
      %swap3A_840 = vector.shape_cast %add3A_834 : vector<16xi32> to vector<1x16xi32>
      tpu.vector_store %arg11[%swap3A_836, %swap3A_837], %swap3A_840 {strides = array<i32>} : memref<32x512xi32, #tpu.memory_space<vmem>>, vector<1x16xi32>,
      %add3A_841 = arith.constant 8000640 : i32
      %add3A_842 = vector.broadcast %add3A_841 : i32 to vector<16xi32>
      %add3A_843 = arith.addi %add3A_658, %add3A_842 : vector<16xi32>
      %swap3A_844 = arith.constant 9 : i32
      %swap3A_845 = arith.index_cast %swap3A_844 : i32 to index
      %swap3A_846 = arith.index_cast %mul3A_648 : i32 to index
      %swap3A_847 = tpu.vector_load %arg11[%swap3A_845, %swap3A_846] {strides = array<i32>} : memref<32x512xi32, #tpu.memory_space<vmem>>, vector<1x16xi32>,
      %swap3A_848 = vector.shape_cast %swap3A_847 : vector<1x16xi32> to vector<16xi32>
      %swap3A_849 = vector.shape_cast %add3A_843 : vector<16xi32> to vector<1x16xi32>
      tpu.vector_store %arg11[%swap3A_845, %swap3A_846], %swap3A_849 {strides = array<i32>} : memref<32x512xi32, #tpu.memory_space<vmem>>, vector<1x16xi32>,
      %add3A_850 = arith.constant 8000640 : i32
      %add3A_851 = vector.broadcast %add3A_850 : i32 to vector<16xi32>
      %add3A_852 = arith.addi %add3A_674, %add3A_851 : vector<16xi32>
      %swap3A_853 = arith.constant 25 : i32
      %swap3A_854 = arith.index_cast %swap3A_853 : i32 to index
      %swap3A_855 = arith.index_cast %mul3A_648 : i32 to index
      %swap3A_856 = tpu.vector_load %arg11[%swap3A_854, %swap3A_855] {strides = array<i32>} : memref<32x512xi32, #tpu.memory_space<vmem>>, vector<1x16xi32>,
      %swap3A_857 = vector.shape_cast %swap3A_856 : vector<1x16xi32> to vector<16xi32>
      %swap3A_858 = vector.shape_cast %add3A_852 : vector<16xi32> to vector<1x16xi32>
      tpu.vector_store %arg11[%swap3A_854, %swap3A_855], %swap3A_858 {strides = array<i32>} : memref<32x512xi32, #tpu.memory_space<vmem>>, vector<1x16xi32>,
      %add3A_859 = arith.constant 8000768 : i32
      %add3A_860 = vector.broadcast %add3A_859 : i32 to vector<16xi32>
      %add3A_861 = arith.addi %add3A_658, %add3A_860 : vector<16xi32>
      %swap3A_862 = arith.constant 10 : i32
      %swap3A_863 = arith.index_cast %swap3A_862 : i32 to index
      %swap3A_864 = arith.index_cast %mul3A_648 : i32 to index
      %swap3A_865 = tpu.vector_load %arg11[%swap3A_863, %swap3A_864] {strides = array<i32>} : memref<32x512xi32, #tpu.memory_space<vmem>>, vector<1x16xi32>,
      %swap3A_866 = vector.shape_cast %swap3A_865 : vector<1x16xi32> to vector<16xi32>
      %swap3A_867 = vector.shape_cast %add3A_861 : vector<16xi32> to vector<1x16xi32>
      tpu.vector_store %arg11[%swap3A_863, %swap3A_864], %swap3A_867 {strides = array<i32>} : memref<32x512xi32, #tpu.memory_space<vmem>>, vector<1x16xi32>,
      %add3A_868 = arith.constant 8000768 : i32
      %add3A_869 = vector.broadcast %add3A_868 : i32 to vector<16xi32>
      %add3A_870 = arith.addi %add3A_674, %add3A_869 : vector<16xi32>
      %swap3A_871 = arith.constant 26 : i32
      %swap3A_872 = arith.index_cast %swap3A_871 : i32 to index
      %swap3A_873 = arith.index_cast %mul3A_648 : i32 to index
      %swap3A_874 = tpu.vector_load %arg11[%swap3A_872, %swap3A_873] {strides = array<i32>} : memref<32x512xi32, #tpu.memory_space<vmem>>, vector<1x16xi32>,
      %swap3A_875 = vector.shape_cast %swap3A_874 : vector<1x16xi32> to vector<16xi32>
      %swap3A_876 = vector.shape_cast %add3A_870 : vector<16xi32> to vector<1x16xi32>
      tpu.vector_store %arg11[%swap3A_872, %swap3A_873], %swap3A_876 {strides = array<i32>} : memref<32x512xi32, #tpu.memory_space<vmem>>, vector<1x16xi32>,
      %add3A_877 = arith.constant 8000896 : i32
      %add3A_878 = vector.broadcast %add3A_877 : i32 to vector<16xi32>
      %add3A_879 = arith.addi %add3A_658, %add3A_878 : vector<16xi32>
      %swap3A_880 = arith.constant 11 : i32
      %swap3A_881 = arith.index_cast %swap3A_880 : i32 to index
      %swap3A_882 = arith.index_cast %mul3A_648 : i32 to index
      %swap3A_883 = tpu.vector_load %arg11[%swap3A_881, %swap3A_882] {strides = array<i32>} : memref<32x512xi32, #tpu.memory_space<vmem>>, vector<1x16xi32>,
      %swap3A_884 = vector.shape_cast %swap3A_883 : vector<1x16xi32> to vector<16xi32>
      %swap3A_885 = vector.shape_cast %add3A_879 : vector<16xi32> to vector<1x16xi32>
      tpu.vector_store %arg11[%swap3A_881, %swap3A_882], %swap3A_885 {strides = array<i32>} : memref<32x512xi32, #tpu.memory_space<vmem>>, vector<1x16xi32>,
      %add3A_886 = arith.constant 8000896 : i32
      %add3A_887 = vector.broadcast %add3A_886 : i32 to vector<16xi32>
      %add3A_888 = arith.addi %add3A_674, %add3A_887 : vector<16xi32>
      %swap3A_889 = arith.constant 27 : i32
      %swap3A_890 = arith.index_cast %swap3A_889 : i32 to index
      %swap3A_891 = arith.index_cast %mul3A_648 : i32 to index
      %swap3A_892 = tpu.vector_load %arg11[%swap3A_890, %swap3A_891] {strides = array<i32>} : memref<32x512xi32, #tpu.memory_space<vmem>>, vector<1x16xi32>,
      %swap3A_893 = vector.shape_cast %swap3A_892 : vector<1x16xi32> to vector<16xi32>
      %swap3A_894 = vector.shape_cast %add3A_888 : vector<16xi32> to vector<1x16xi32>
      tpu.vector_store %arg11[%swap3A_890, %swap3A_891], %swap3A_894 {strides = array<i32>} : memref<32x512xi32, #tpu.memory_space<vmem>>, vector<1x16xi32>,
      %add3A_895 = arith.constant 8001024 : i32
      %add3A_896 = vector.broadcast %add3A_895 : i32 to vector<16xi32>
      %add3A_897 = arith.addi %add3A_658, %add3A_896 : vector<16xi32>
      %swap3A_898 = arith.constant 12 : i32
      %swap3A_899 = arith.index_cast %swap3A_898 : i32 to index
      %swap3A_900 = arith.index_cast %mul3A_648 : i32 to index
      %swap3A_901 = tpu.vector_load %arg11[%swap3A_899, %swap3A_900] {strides = array<i32>} : memref<32x512xi32, #tpu.memory_space<vmem>>, vector<1x16xi32>,
      %swap3A_902 = vector.shape_cast %swap3A_901 : vector<1x16xi32> to vector<16xi32>
      %swap3A_903 = vector.shape_cast %add3A_897 : vector<16xi32> to vector<1x16xi32>
      tpu.vector_store %arg11[%swap3A_899, %swap3A_900], %swap3A_903 {strides = array<i32>} : memref<32x512xi32, #tpu.memory_space<vmem>>, vector<1x16xi32>,
      %add3A_904 = arith.constant 8001024 : i32
      %add3A_905 = vector.broadcast %add3A_904 : i32 to vector<16xi32>
      %add3A_906 = arith.addi %add3A_674, %add3A_905 : vector<16xi32>
      %swap3A_907 = arith.constant 28 : i32
      %swap3A_908 = arith.index_cast %swap3A_907 : i32 to index
      %swap3A_909 = arith.index_cast %mul3A_648 : i32 to index
      %swap3A_910 = tpu.vector_load %arg11[%swap3A_908, %swap3A_909] {strides = array<i32>} : memref<32x512xi32, #tpu.memory_space<vmem>>, vector<1x16xi32>,
      %swap3A_911 = vector.shape_cast %swap3A_910 : vector<1x16xi32> to vector<16xi32>
      %swap3A_912 = vector.shape_cast %add3A_906 : vector<16xi32> to vector<1x16xi32>
      tpu.vector_store %arg11[%swap3A_908, %swap3A_909], %swap3A_912 {strides = array<i32>} : memref<32x512xi32, #tpu.memory_space<vmem>>, vector<1x16xi32>,
      %add3A_913 = arith.constant 8001152 : i32
      %add3A_914 = vector.broadcast %add3A_913 : i32 to vector<16xi32>
      %add3A_915 = arith.addi %add3A_658, %add3A_914 : vector<16xi32>
      %swap3A_916 = arith.constant 13 : i32
      %swap3A_917 = arith.index_cast %swap3A_916 : i32 to index
      %swap3A_918 = arith.index_cast %mul3A_648 : i32 to index
      %swap3A_919 = tpu.vector_load %arg11[%swap3A_917, %swap3A_918] {strides = array<i32>} : memref<32x512xi32, #tpu.memory_space<vmem>>, vector<1x16xi32>,
      %swap3A_920 = vector.shape_cast %swap3A_919 : vector<1x16xi32> to vector<16xi32>
      %swap3A_921 = vector.shape_cast %add3A_915 : vector<16xi32> to vector<1x16xi32>
      tpu.vector_store %arg11[%swap3A_917, %swap3A_918], %swap3A_921 {strides = array<i32>} : memref<32x512xi32, #tpu.memory_space<vmem>>, vector<1x16xi32>,
      %add3A_922 = arith.constant 8001152 : i32
      %add3A_923 = vector.broadcast %add3A_922 : i32 to vector<16xi32>
      %add3A_924 = arith.addi %add3A_674, %add3A_923 : vector<16xi32>
      %swap3A_925 = arith.constant 29 : i32
      %swap3A_926 = arith.index_cast %swap3A_925 : i32 to index
      %swap3A_927 = arith.index_cast %mul3A_648 : i32 to index
      %swap3A_928 = tpu.vector_load %arg11[%swap3A_926, %swap3A_927] {strides = array<i32>} : memref<32x512xi32, #tpu.memory_space<vmem>>, vector<1x16xi32>,
      %swap3A_929 = vector.shape_cast %swap3A_928 : vector<1x16xi32> to vector<16xi32>
      %swap3A_930 = vector.shape_cast %add3A_924 : vector<16xi32> to vector<1x16xi32>
      tpu.vector_store %arg11[%swap3A_926, %swap3A_927], %swap3A_930 {strides = array<i32>} : memref<32x512xi32, #tpu.memory_space<vmem>>, vector<1x16xi32>,
      %add3A_931 = arith.constant 8001280 : i32
      %add3A_932 = vector.broadcast %add3A_931 : i32 to vector<16xi32>
      %add3A_933 = arith.addi %add3A_658, %add3A_932 : vector<16xi32>
      %swap3A_934 = arith.constant 14 : i32
      %swap3A_935 = arith.index_cast %swap3A_934 : i32 to index
      %swap3A_936 = arith.index_cast %mul3A_648 : i32 to index
      %swap3A_937 = tpu.vector_load %arg11[%swap3A_935, %swap3A_936] {strides = array<i32>} : memref<32x512xi32, #tpu.memory_space<vmem>>, vector<1x16xi32>,
      %swap3A_938 = vector.shape_cast %swap3A_937 : vector<1x16xi32> to vector<16xi32>
      %swap3A_939 = vector.shape_cast %add3A_933 : vector<16xi32> to vector<1x16xi32>
      tpu.vector_store %arg11[%swap3A_935, %swap3A_936], %swap3A_939 {strides = array<i32>} : memref<32x512xi32, #tpu.memory_space<vmem>>, vector<1x16xi32>,
      %add3A_940 = arith.constant 8001280 : i32
      %add3A_941 = vector.broadcast %add3A_940 : i32 to vector<16xi32>
      %add3A_942 = arith.addi %add3A_674, %add3A_941 : vector<16xi32>
      %swap3A_943 = arith.constant 30 : i32
      %swap3A_944 = arith.index_cast %swap3A_943 : i32 to index
      %swap3A_945 = arith.index_cast %mul3A_648 : i32 to index
      %swap3A_946 = tpu.vector_load %arg11[%swap3A_944, %swap3A_945] {strides = array<i32>} : memref<32x512xi32, #tpu.memory_space<vmem>>, vector<1x16xi32>,
      %swap3A_947 = vector.shape_cast %swap3A_946 : vector<1x16xi32> to vector<16xi32>
      %swap3A_948 = vector.shape_cast %add3A_942 : vector<16xi32> to vector<1x16xi32>
      tpu.vector_store %arg11[%swap3A_944, %swap3A_945], %swap3A_948 {strides = array<i32>} : memref<32x512xi32, #tpu.memory_space<vmem>>, vector<1x16xi32>,
      %add3A_949 = arith.constant 8001408 : i32
      %add3A_950 = vector.broadcast %add3A_949 : i32 to vector<16xi32>
      %add3A_951 = arith.addi %add3A_658, %add3A_950 : vector<16xi32>
      %swap3A_952 = arith.constant 15 : i32
      %swap3A_953 = arith.index_cast %swap3A_952 : i32 to index
      %swap3A_954 = arith.index_cast %mul3A_648 : i32 to index
      %swap3A_955 = tpu.vector_load %arg11[%swap3A_953, %swap3A_954] {strides = array<i32>} : memref<32x512xi32, #tpu.memory_space<vmem>>, vector<1x16xi32>,
      %swap3A_956 = vector.shape_cast %swap3A_955 : vector<1x16xi32> to vector<16xi32>
      %swap3A_957 = vector.shape_cast %add3A_951 : vector<16xi32> to vector<1x16xi32>
      tpu.vector_store %arg11[%swap3A_953, %swap3A_954], %swap3A_957 {strides = array<i32>} : memref<32x512xi32, #tpu.memory_space<vmem>>, vector<1x16xi32>,
      %add3A_958 = arith.constant 8001408 : i32
      %add3A_959 = vector.broadcast %add3A_958 : i32 to vector<16xi32>
      %add3A_960 = arith.addi %add3A_674, %add3A_959 : vector<16xi32>
      %swap3A_961 = arith.constant 31 : i32
      %swap3A_962 = arith.index_cast %swap3A_961 : i32 to index
      %swap3A_963 = arith.index_cast %mul3A_648 : i32 to index
      %swap3A_964 = tpu.vector_load %arg11[%swap3A_962, %swap3A_963] {strides = array<i32>} : memref<32x512xi32, #tpu.memory_space<vmem>>, vector<1x16xi32>,
      %swap3A_965 = vector.shape_cast %swap3A_964 : vector<1x16xi32> to vector<16xi32>
      %swap3A_966 = vector.shape_cast %add3A_960 : vector<16xi32> to vector<1x16xi32>
      tpu.vector_store %arg11[%swap3A_962, %swap3A_963], %swap3A_966 {strides = array<i32>} : memref<32x512xi32, #tpu.memory_space<vmem>>, vector<1x16xi32>,
    }
    %scan3A_7 = arith.constant 32 : i32
    %dma_start3A = arith.constant 0 : i32
    %dma_start3A_8 = arith.constant 0 : i32
    %dma_start3A_9 = arith.constant 0 : i32
    %dma_start3A_10 = tpu.memref_slice %arg12[%dma_start3A_8, %dma_start3A_9] : memref<32x512xf32, #tpu.memory_space<vmem>> -> memref<1x512xf32, #tpu.memory_space<vmem>>
    %dma_start3A_11 = tpu.memref_squeeze %dma_start3A_10 : memref<1x512xf32, #tpu.memory_space<vmem>> -> memref<512xf32, #tpu.memory_space<vmem>>
    %dma_start3A_12 = arith.constant 0 : i32
    %dma_start3A_13 = tpu.memref_slice %arg11[%dma_start3A, %dma_start3A_12] : memref<32x512xi32, #tpu.memory_space<vmem>> -> memref<1x512xi32, #tpu.memory_space<vmem>>
    %dma_start3A_14 = tpu.memref_squeeze %dma_start3A_13 : memref<1x512xi32, #tpu.memory_space<vmem>> -> memref<512xi32, #tpu.memory_space<vmem>>
    %dma_start3A_15 = arith.constant 0 : i32
    %dma_start3A_16 = tpu.memref_slice %arg4[%dma_start3A_15] : memref<16001024xf32, #tpu.memory_space<hbm>> -> memref<16001024xf32, #tpu.memory_space<hbm>>
    tpu.enqueue_indirect_dma source(%dma_start3A_16 : memref<16001024xf32, #tpu.memory_space<hbm>>) target(%dma_start3A_11 : memref<512xf32, #tpu.memory_space<vmem>>) offsets(%dma_start3A_14 : memref<512xi32, #tpu.memory_space<vmem>>) semaphore(%arg13 : memref<!tpu.dma_semaphore, #tpu.memory_space<semaphore_mem>>)
    %dma_start3A_17 = arith.constant 16 : i32
    %dma_start3A_18 = arith.constant 16 : i32
    %dma_start3A_19 = arith.constant 0 : i32
    %dma_start3A_20 = tpu.memref_slice %arg12[%dma_start3A_18, %dma_start3A_19] : memref<32x512xf32, #tpu.memory_space<vmem>> -> memref<1x512xf32, #tpu.memory_space<vmem>>
    %dma_start3A_21 = tpu.memref_squeeze %dma_start3A_20 : memref<1x512xf32, #tpu.memory_space<vmem>> -> memref<512xf32, #tpu.memory_space<vmem>>
    %dma_start3A_22 = arith.constant 0 : i32
    %dma_start3A_23 = tpu.memref_slice %arg11[%dma_start3A_17, %dma_start3A_22] : memref<32x512xi32, #tpu.memory_space<vmem>> -> memref<1x512xi32, #tpu.memory_space<vmem>>
    %dma_start3A_24 = tpu.memref_squeeze %dma_start3A_23 : memref<1x512xi32, #tpu.memory_space<vmem>> -> memref<512xi32, #tpu.memory_space<vmem>>
    %dma_start3A_25 = arith.constant 0 : i32
    %dma_start3A_26 = tpu.memref_slice %arg5[%dma_start3A_25] : memref<16001024xf32, #tpu.memory_space<hbm>> -> memref<16001024xf32, #tpu.memory_space<hbm>>
    tpu.enqueue_indirect_dma source(%dma_start3A_26 : memref<16001024xf32, #tpu.memory_space<hbm>>) target(%dma_start3A_21 : memref<512xf32, #tpu.memory_space<vmem>>) offsets(%dma_start3A_24 : memref<512xi32, #tpu.memory_space<vmem>>) semaphore(%arg13 : memref<!tpu.dma_semaphore, #tpu.memory_space<semaphore_mem>>)
    %dma_start3A_27 = arith.constant 1 : i32
    %dma_start3A_28 = arith.constant 1 : i32
    %dma_start3A_29 = arith.constant 0 : i32
    %dma_start3A_30 = tpu.memref_slice %arg12[%dma_start3A_28, %dma_start3A_29] : memref<32x512xf32, #tpu.memory_space<vmem>> -> memref<1x512xf32, #tpu.memory_space<vmem>>
    %dma_start3A_31 = tpu.memref_squeeze %dma_start3A_30 : memref<1x512xf32, #tpu.memory_space<vmem>> -> memref<512xf32, #tpu.memory_space<vmem>>
    %dma_start3A_32 = arith.constant 0 : i32
    %dma_start3A_33 = tpu.memref_slice %arg11[%dma_start3A_27, %dma_start3A_32] : memref<32x512xi32, #tpu.memory_space<vmem>> -> memref<1x512xi32, #tpu.memory_space<vmem>>
    %dma_start3A_34 = tpu.memref_squeeze %dma_start3A_33 : memref<1x512xi32, #tpu.memory_space<vmem>> -> memref<512xi32, #tpu.memory_space<vmem>>
    %dma_start3A_35 = arith.constant 0 : i32
    %dma_start3A_36 = tpu.memref_slice %arg4[%dma_start3A_35] : memref<16001024xf32, #tpu.memory_space<hbm>> -> memref<16001024xf32, #tpu.memory_space<hbm>>
    tpu.enqueue_indirect_dma source(%dma_start3A_36 : memref<16001024xf32, #tpu.memory_space<hbm>>) target(%dma_start3A_31 : memref<512xf32, #tpu.memory_space<vmem>>) offsets(%dma_start3A_34 : memref<512xi32, #tpu.memory_space<vmem>>) semaphore(%arg13 : memref<!tpu.dma_semaphore, #tpu.memory_space<semaphore_mem>>)
    %dma_start3A_37 = arith.constant 17 : i32
    %dma_start3A_38 = arith.constant 17 : i32
    %dma_start3A_39 = arith.constant 0 : i32
    %dma_start3A_40 = tpu.memref_slice %arg12[%dma_start3A_38, %dma_start3A_39] : memref<32x512xf32, #tpu.memory_space<vmem>> -> memref<1x512xf32, #tpu.memory_space<vmem>>
    %dma_start3A_41 = tpu.memref_squeeze %dma_start3A_40 : memref<1x512xf32, #tpu.memory_space<vmem>> -> memref<512xf32, #tpu.memory_space<vmem>>
    %dma_start3A_42 = arith.constant 0 : i32
    %dma_start3A_43 = tpu.memref_slice %arg11[%dma_start3A_37, %dma_start3A_42] : memref<32x512xi32, #tpu.memory_space<vmem>> -> memref<1x512xi32, #tpu.memory_space<vmem>>
    %dma_start3A_44 = tpu.memref_squeeze %dma_start3A_43 : memref<1x512xi32, #tpu.memory_space<vmem>> -> memref<512xi32, #tpu.memory_space<vmem>>
    %dma_start3A_45 = arith.constant 0 : i32
    %dma_start3A_46 = tpu.memref_slice %arg5[%dma_start3A_45] : memref<16001024xf32, #tpu.memory_space<hbm>> -> memref<16001024xf32, #tpu.memory_space<hbm>>
    tpu.enqueue_indirect_dma source(%dma_start3A_46 : memref<16001024xf32, #tpu.memory_space<hbm>>) target(%dma_start3A_41 : memref<512xf32, #tpu.memory_space<vmem>>) offsets(%dma_start3A_44 : memref<512xi32, #tpu.memory_space<vmem>>) semaphore(%arg13 : memref<!tpu.dma_semaphore, #tpu.memory_space<semaphore_mem>>)
    %dma_start3A_47 = arith.constant 2 : i32
    %dma_start3A_48 = arith.constant 2 : i32
    %dma_start3A_49 = arith.constant 0 : i32
    %dma_start3A_50 = tpu.memref_slice %arg12[%dma_start3A_48, %dma_start3A_49] : memref<32x512xf32, #tpu.memory_space<vmem>> -> memref<1x512xf32, #tpu.memory_space<vmem>>
    %dma_start3A_51 = tpu.memref_squeeze %dma_start3A_50 : memref<1x512xf32, #tpu.memory_space<vmem>> -> memref<512xf32, #tpu.memory_space<vmem>>
    %dma_start3A_52 = arith.constant 0 : i32
    %dma_start3A_53 = tpu.memref_slice %arg11[%dma_start3A_47, %dma_start3A_52] : memref<32x512xi32, #tpu.memory_space<vmem>> -> memref<1x512xi32, #tpu.memory_space<vmem>>
    %dma_start3A_54 = tpu.memref_squeeze %dma_start3A_53 : memref<1x512xi32, #tpu.memory_space<vmem>> -> memref<512xi32, #tpu.memory_space<vmem>>
    %dma_start3A_55 = arith.constant 0 : i32
    %dma_start3A_56 = tpu.memref_slice %arg4[%dma_start3A_55] : memref<16001024xf32, #tpu.memory_space<hbm>> -> memref<16001024xf32, #tpu.memory_space<hbm>>
    tpu.enqueue_indirect_dma source(%dma_start3A_56 : memref<16001024xf32, #tpu.memory_space<hbm>>) target(%dma_start3A_51 : memref<512xf32, #tpu.memory_space<vmem>>) offsets(%dma_start3A_54 : memref<512xi32, #tpu.memory_space<vmem>>) semaphore(%arg13 : memref<!tpu.dma_semaphore, #tpu.memory_space<semaphore_mem>>)
    %dma_start3A_57 = arith.constant 18 : i32
    %dma_start3A_58 = arith.constant 18 : i32
    %dma_start3A_59 = arith.constant 0 : i32
    %dma_start3A_60 = tpu.memref_slice %arg12[%dma_start3A_58, %dma_start3A_59] : memref<32x512xf32, #tpu.memory_space<vmem>> -> memref<1x512xf32, #tpu.memory_space<vmem>>
    %dma_start3A_61 = tpu.memref_squeeze %dma_start3A_60 : memref<1x512xf32, #tpu.memory_space<vmem>> -> memref<512xf32, #tpu.memory_space<vmem>>
    %dma_start3A_62 = arith.constant 0 : i32
    %dma_start3A_63 = tpu.memref_slice %arg11[%dma_start3A_57, %dma_start3A_62] : memref<32x512xi32, #tpu.memory_space<vmem>> -> memref<1x512xi32, #tpu.memory_space<vmem>>
    %dma_start3A_64 = tpu.memref_squeeze %dma_start3A_63 : memref<1x512xi32, #tpu.memory_space<vmem>> -> memref<512xi32, #tpu.memory_space<vmem>>
    %dma_start3A_65 = arith.constant 0 : i32
    %dma_start3A_66 = tpu.memref_slice %arg5[%dma_start3A_65] : memref<16001024xf32, #tpu.memory_space<hbm>> -> memref<16001024xf32, #tpu.memory_space<hbm>>
    tpu.enqueue_indirect_dma source(%dma_start3A_66 : memref<16001024xf32, #tpu.memory_space<hbm>>) target(%dma_start3A_61 : memref<512xf32, #tpu.memory_space<vmem>>) offsets(%dma_start3A_64 : memref<512xi32, #tpu.memory_space<vmem>>) semaphore(%arg13 : memref<!tpu.dma_semaphore, #tpu.memory_space<semaphore_mem>>)
    %dma_start3A_67 = arith.constant 3 : i32
    %dma_start3A_68 = arith.constant 3 : i32
    %dma_start3A_69 = arith.constant 0 : i32
    %dma_start3A_70 = tpu.memref_slice %arg12[%dma_start3A_68, %dma_start3A_69] : memref<32x512xf32, #tpu.memory_space<vmem>> -> memref<1x512xf32, #tpu.memory_space<vmem>>
    %dma_start3A_71 = tpu.memref_squeeze %dma_start3A_70 : memref<1x512xf32, #tpu.memory_space<vmem>> -> memref<512xf32, #tpu.memory_space<vmem>>
    %dma_start3A_72 = arith.constant 0 : i32
    %dma_start3A_73 = tpu.memref_slice %arg11[%dma_start3A_67, %dma_start3A_72] : memref<32x512xi32, #tpu.memory_space<vmem>> -> memref<1x512xi32, #tpu.memory_space<vmem>>
    %dma_start3A_74 = tpu.memref_squeeze %dma_start3A_73 : memref<1x512xi32, #tpu.memory_space<vmem>> -> memref<512xi32, #tpu.memory_space<vmem>>
    %dma_start3A_75 = arith.constant 0 : i32
    %dma_start3A_76 = tpu.memref_slice %arg4[%dma_start3A_75] : memref<16001024xf32, #tpu.memory_space<hbm>> -> memref<16001024xf32, #tpu.memory_space<hbm>>
    tpu.enqueue_indirect_dma source(%dma_start3A_76 : memref<16001024xf32, #tpu.memory_space<hbm>>) target(%dma_start3A_71 : memref<512xf32, #tpu.memory_space<vmem>>) offsets(%dma_start3A_74 : memref<512xi32, #tpu.memory_space<vmem>>) semaphore(%arg13 : memref<!tpu.dma_semaphore, #tpu.memory_space<semaphore_mem>>)
    %dma_start3A_77 = arith.constant 19 : i32
    %dma_start3A_78 = arith.constant 19 : i32
    %dma_start3A_79 = arith.constant 0 : i32
    %dma_start3A_80 = tpu.memref_slice %arg12[%dma_start3A_78, %dma_start3A_79] : memref<32x512xf32, #tpu.memory_space<vmem>> -> memref<1x512xf32, #tpu.memory_space<vmem>>
    %dma_start3A_81 = tpu.memref_squeeze %dma_start3A_80 : memref<1x512xf32, #tpu.memory_space<vmem>> -> memref<512xf32, #tpu.memory_space<vmem>>
    %dma_start3A_82 = arith.constant 0 : i32
    %dma_start3A_83 = tpu.memref_slice %arg11[%dma_start3A_77, %dma_start3A_82] : memref<32x512xi32, #tpu.memory_space<vmem>> -> memref<1x512xi32, #tpu.memory_space<vmem>>
    %dma_start3A_84 = tpu.memref_squeeze %dma_start3A_83 : memref<1x512xi32, #tpu.memory_space<vmem>> -> memref<512xi32, #tpu.memory_space<vmem>>
    %dma_start3A_85 = arith.constant 0 : i32
    %dma_start3A_86 = tpu.memref_slice %arg5[%dma_start3A_85] : memref<16001024xf32, #tpu.memory_space<hbm>> -> memref<16001024xf32, #tpu.memory_space<hbm>>
    tpu.enqueue_indirect_dma source(%dma_start3A_86 : memref<16001024xf32, #tpu.memory_space<hbm>>) target(%dma_start3A_81 : memref<512xf32, #tpu.memory_space<vmem>>) offsets(%dma_start3A_84 : memref<512xi32, #tpu.memory_space<vmem>>) semaphore(%arg13 : memref<!tpu.dma_semaphore, #tpu.memory_space<semaphore_mem>>)
    %dma_start3A_87 = arith.constant 4 : i32
    %dma_start3A_88 = arith.constant 4 : i32
    %dma_start3A_89 = arith.constant 0 : i32
    %dma_start3A_90 = tpu.memref_slice %arg12[%dma_start3A_88, %dma_start3A_89] : memref<32x512xf32, #tpu.memory_space<vmem>> -> memref<1x512xf32, #tpu.memory_space<vmem>>
    %dma_start3A_91 = tpu.memref_squeeze %dma_start3A_90 : memref<1x512xf32, #tpu.memory_space<vmem>> -> memref<512xf32, #tpu.memory_space<vmem>>
    %dma_start3A_92 = arith.constant 0 : i32
    %dma_start3A_93 = tpu.memref_slice %arg11[%dma_start3A_87, %dma_start3A_92] : memref<32x512xi32, #tpu.memory_space<vmem>> -> memref<1x512xi32, #tpu.memory_space<vmem>>
    %dma_start3A_94 = tpu.memref_squeeze %dma_start3A_93 : memref<1x512xi32, #tpu.memory_space<vmem>> -> memref<512xi32, #tpu.memory_space<vmem>>
    %dma_start3A_95 = arith.constant 0 : i32
    %dma_start3A_96 = tpu.memref_slice %arg4[%dma_start3A_95] : memref<16001024xf32, #tpu.memory_space<hbm>> -> memref<16001024xf32, #tpu.memory_space<hbm>>
    tpu.enqueue_indirect_dma source(%dma_start3A_96 : memref<16001024xf32, #tpu.memory_space<hbm>>) target(%dma_start3A_91 : memref<512xf32, #tpu.memory_space<vmem>>) offsets(%dma_start3A_94 : memref<512xi32, #tpu.memory_space<vmem>>) semaphore(%arg13 : memref<!tpu.dma_semaphore, #tpu.memory_space<semaphore_mem>>)
    %dma_start3A_97 = arith.constant 20 : i32
    %dma_start3A_98 = arith.constant 20 : i32
    %dma_start3A_99 = arith.constant 0 : i32
    %dma_start3A_100 = tpu.memref_slice %arg12[%dma_start3A_98, %dma_start3A_99] : memref<32x512xf32, #tpu.memory_space<vmem>> -> memref<1x512xf32, #tpu.memory_space<vmem>>
    %dma_start3A_101 = tpu.memref_squeeze %dma_start3A_100 : memref<1x512xf32, #tpu.memory_space<vmem>> -> memref<512xf32, #tpu.memory_space<vmem>>
    %dma_start3A_102 = arith.constant 0 : i32
    %dma_start3A_103 = tpu.memref_slice %arg11[%dma_start3A_97, %dma_start3A_102] : memref<32x512xi32, #tpu.memory_space<vmem>> -> memref<1x512xi32, #tpu.memory_space<vmem>>
    %dma_start3A_104 = tpu.memref_squeeze %dma_start3A_103 : memref<1x512xi32, #tpu.memory_space<vmem>> -> memref<512xi32, #tpu.memory_space<vmem>>
    %dma_start3A_105 = arith.constant 0 : i32
    %dma_start3A_106 = tpu.memref_slice %arg5[%dma_start3A_105] : memref<16001024xf32, #tpu.memory_space<hbm>> -> memref<16001024xf32, #tpu.memory_space<hbm>>
    tpu.enqueue_indirect_dma source(%dma_start3A_106 : memref<16001024xf32, #tpu.memory_space<hbm>>) target(%dma_start3A_101 : memref<512xf32, #tpu.memory_space<vmem>>) offsets(%dma_start3A_104 : memref<512xi32, #tpu.memory_space<vmem>>) semaphore(%arg13 : memref<!tpu.dma_semaphore, #tpu.memory_space<semaphore_mem>>)
    %dma_start3A_107 = arith.constant 5 : i32
    %dma_start3A_108 = arith.constant 5 : i32
    %dma_start3A_109 = arith.constant 0 : i32
    %dma_start3A_110 = tpu.memref_slice %arg12[%dma_start3A_108, %dma_start3A_109] : memref<32x512xf32, #tpu.memory_space<vmem>> -> memref<1x512xf32, #tpu.memory_space<vmem>>
    %dma_start3A_111 = tpu.memref_squeeze %dma_start3A_110 : memref<1x512xf32, #tpu.memory_space<vmem>> -> memref<512xf32, #tpu.memory_space<vmem>>
    %dma_start3A_112 = arith.constant 0 : i32
    %dma_start3A_113 = tpu.memref_slice %arg11[%dma_start3A_107, %dma_start3A_112] : memref<32x512xi32, #tpu.memory_space<vmem>> -> memref<1x512xi32, #tpu.memory_space<vmem>>
    %dma_start3A_114 = tpu.memref_squeeze %dma_start3A_113 : memref<1x512xi32, #tpu.memory_space<vmem>> -> memref<512xi32, #tpu.memory_space<vmem>>
    %dma_start3A_115 = arith.constant 0 : i32
    %dma_start3A_116 = tpu.memref_slice %arg4[%dma_start3A_115] : memref<16001024xf32, #tpu.memory_space<hbm>> -> memref<16001024xf32, #tpu.memory_space<hbm>>
    tpu.enqueue_indirect_dma source(%dma_start3A_116 : memref<16001024xf32, #tpu.memory_space<hbm>>) target(%dma_start3A_111 : memref<512xf32, #tpu.memory_space<vmem>>) offsets(%dma_start3A_114 : memref<512xi32, #tpu.memory_space<vmem>>) semaphore(%arg13 : memref<!tpu.dma_semaphore, #tpu.memory_space<semaphore_mem>>)
    %dma_start3A_117 = arith.constant 21 : i32
    %dma_start3A_118 = arith.constant 21 : i32
    %dma_start3A_119 = arith.constant 0 : i32
    %dma_start3A_120 = tpu.memref_slice %arg12[%dma_start3A_118, %dma_start3A_119] : memref<32x512xf32, #tpu.memory_space<vmem>> -> memref<1x512xf32, #tpu.memory_space<vmem>>
    %dma_start3A_121 = tpu.memref_squeeze %dma_start3A_120 : memref<1x512xf32, #tpu.memory_space<vmem>> -> memref<512xf32, #tpu.memory_space<vmem>>
    %dma_start3A_122 = arith.constant 0 : i32
    %dma_start3A_123 = tpu.memref_slice %arg11[%dma_start3A_117, %dma_start3A_122] : memref<32x512xi32, #tpu.memory_space<vmem>> -> memref<1x512xi32, #tpu.memory_space<vmem>>
    %dma_start3A_124 = tpu.memref_squeeze %dma_start3A_123 : memref<1x512xi32, #tpu.memory_space<vmem>> -> memref<512xi32, #tpu.memory_space<vmem>>
    %dma_start3A_125 = arith.constant 0 : i32
    %dma_start3A_126 = tpu.memref_slice %arg5[%dma_start3A_125] : memref<16001024xf32, #tpu.memory_space<hbm>> -> memref<16001024xf32, #tpu.memory_space<hbm>>
    tpu.enqueue_indirect_dma source(%dma_start3A_126 : memref<16001024xf32, #tpu.memory_space<hbm>>) target(%dma_start3A_121 : memref<512xf32, #tpu.memory_space<vmem>>) offsets(%dma_start3A_124 : memref<512xi32, #tpu.memory_space<vmem>>) semaphore(%arg13 : memref<!tpu.dma_semaphore, #tpu.memory_space<semaphore_mem>>)
    %dma_start3A_127 = arith.constant 6 : i32
    %dma_start3A_128 = arith.constant 6 : i32
    %dma_start3A_129 = arith.constant 0 : i32
    %dma_start3A_130 = tpu.memref_slice %arg12[%dma_start3A_128, %dma_start3A_129] : memref<32x512xf32, #tpu.memory_space<vmem>> -> memref<1x512xf32, #tpu.memory_space<vmem>>
    %dma_start3A_131 = tpu.memref_squeeze %dma_start3A_130 : memref<1x512xf32, #tpu.memory_space<vmem>> -> memref<512xf32, #tpu.memory_space<vmem>>
    %dma_start3A_132 = arith.constant 0 : i32
    %dma_start3A_133 = tpu.memref_slice %arg11[%dma_start3A_127, %dma_start3A_132] : memref<32x512xi32, #tpu.memory_space<vmem>> -> memref<1x512xi32, #tpu.memory_space<vmem>>
    %dma_start3A_134 = tpu.memref_squeeze %dma_start3A_133 : memref<1x512xi32, #tpu.memory_space<vmem>> -> memref<512xi32, #tpu.memory_space<vmem>>
    %dma_start3A_135 = arith.constant 0 : i32
    %dma_start3A_136 = tpu.memref_slice %arg4[%dma_start3A_135] : memref<16001024xf32, #tpu.memory_space<hbm>> -> memref<16001024xf32, #tpu.memory_space<hbm>>
    tpu.enqueue_indirect_dma source(%dma_start3A_136 : memref<16001024xf32, #tpu.memory_space<hbm>>) target(%dma_start3A_131 : memref<512xf32, #tpu.memory_space<vmem>>) offsets(%dma_start3A_134 : memref<512xi32, #tpu.memory_space<vmem>>) semaphore(%arg13 : memref<!tpu.dma_semaphore, #tpu.memory_space<semaphore_mem>>)
    %dma_start3A_137 = arith.constant 22 : i32
    %dma_start3A_138 = arith.constant 22 : i32
    %dma_start3A_139 = arith.constant 0 : i32
    %dma_start3A_140 = tpu.memref_slice %arg12[%dma_start3A_138, %dma_start3A_139] : memref<32x512xf32, #tpu.memory_space<vmem>> -> memref<1x512xf32, #tpu.memory_space<vmem>>
    %dma_start3A_141 = tpu.memref_squeeze %dma_start3A_140 : memref<1x512xf32, #tpu.memory_space<vmem>> -> memref<512xf32, #tpu.memory_space<vmem>>
    %dma_start3A_142 = arith.constant 0 : i32
    %dma_start3A_143 = tpu.memref_slice %arg11[%dma_start3A_137, %dma_start3A_142] : memref<32x512xi32, #tpu.memory_space<vmem>> -> memref<1x512xi32, #tpu.memory_space<vmem>>
    %dma_start3A_144 = tpu.memref_squeeze %dma_start3A_143 : memref<1x512xi32, #tpu.memory_space<vmem>> -> memref<512xi32, #tpu.memory_space<vmem>>
    %dma_start3A_145 = arith.constant 0 : i32
    %dma_start3A_146 = tpu.memref_slice %arg5[%dma_start3A_145] : memref<16001024xf32, #tpu.memory_space<hbm>> -> memref<16001024xf32, #tpu.memory_space<hbm>>
    tpu.enqueue_indirect_dma source(%dma_start3A_146 : memref<16001024xf32, #tpu.memory_space<hbm>>) target(%dma_start3A_141 : memref<512xf32, #tpu.memory_space<vmem>>) offsets(%dma_start3A_144 : memref<512xi32, #tpu.memory_space<vmem>>) semaphore(%arg13 : memref<!tpu.dma_semaphore, #tpu.memory_space<semaphore_mem>>)
    %dma_start3A_147 = arith.constant 7 : i32
    %dma_start3A_148 = arith.constant 7 : i32
    %dma_start3A_149 = arith.constant 0 : i32
    %dma_start3A_150 = tpu.memref_slice %arg12[%dma_start3A_148, %dma_start3A_149] : memref<32x512xf32, #tpu.memory_space<vmem>> -> memref<1x512xf32, #tpu.memory_space<vmem>>
    %dma_start3A_151 = tpu.memref_squeeze %dma_start3A_150 : memref<1x512xf32, #tpu.memory_space<vmem>> -> memref<512xf32, #tpu.memory_space<vmem>>
    %dma_start3A_152 = arith.constant 0 : i32
    %dma_start3A_153 = tpu.memref_slice %arg11[%dma_start3A_147, %dma_start3A_152] : memref<32x512xi32, #tpu.memory_space<vmem>> -> memref<1x512xi32, #tpu.memory_space<vmem>>
    %dma_start3A_154 = tpu.memref_squeeze %dma_start3A_153 : memref<1x512xi32, #tpu.memory_space<vmem>> -> memref<512xi32, #tpu.memory_space<vmem>>
    %dma_start3A_155 = arith.constant 0 : i32
    %dma_start3A_156 = tpu.memref_slice %arg4[%dma_start3A_155] : memref<16001024xf32, #tpu.memory_space<hbm>> -> memref<16001024xf32, #tpu.memory_space<hbm>>
    tpu.enqueue_indirect_dma source(%dma_start3A_156 : memref<16001024xf32, #tpu.memory_space<hbm>>) target(%dma_start3A_151 : memref<512xf32, #tpu.memory_space<vmem>>) offsets(%dma_start3A_154 : memref<512xi32, #tpu.memory_space<vmem>>) semaphore(%arg13 : memref<!tpu.dma_semaphore, #tpu.memory_space<semaphore_mem>>)
    %dma_start3A_157 = arith.constant 23 : i32
    %dma_start3A_158 = arith.constant 23 : i32
    %dma_start3A_159 = arith.constant 0 : i32
    %dma_start3A_160 = tpu.memref_slice %arg12[%dma_start3A_158, %dma_start3A_159] : memref<32x512xf32, #tpu.memory_space<vmem>> -> memref<1x512xf32, #tpu.memory_space<vmem>>
    %dma_start3A_161 = tpu.memref_squeeze %dma_start3A_160 : memref<1x512xf32, #tpu.memory_space<vmem>> -> memref<512xf32, #tpu.memory_space<vmem>>
    %dma_start3A_162 = arith.constant 0 : i32
    %dma_start3A_163 = tpu.memref_slice %arg11[%dma_start3A_157, %dma_start3A_162] : memref<32x512xi32, #tpu.memory_space<vmem>> -> memref<1x512xi32, #tpu.memory_space<vmem>>
    %dma_start3A_164 = tpu.memref_squeeze %dma_start3A_163 : memref<1x512xi32, #tpu.memory_space<vmem>> -> memref<512xi32, #tpu.memory_space<vmem>>
    %dma_start3A_165 = arith.constant 0 : i32
    %dma_start3A_166 = tpu.memref_slice %arg5[%dma_start3A_165] : memref<16001024xf32, #tpu.memory_space<hbm>> -> memref<16001024xf32, #tpu.memory_space<hbm>>
    tpu.enqueue_indirect_dma source(%dma_start3A_166 : memref<16001024xf32, #tpu.memory_space<hbm>>) target(%dma_start3A_161 : memref<512xf32, #tpu.memory_space<vmem>>) offsets(%dma_start3A_164 : memref<512xi32, #tpu.memory_space<vmem>>) semaphore(%arg13 : memref<!tpu.dma_semaphore, #tpu.memory_space<semaphore_mem>>)
    %dma_start3A_167 = arith.constant 8 : i32
    %dma_start3A_168 = arith.constant 8 : i32
    %dma_start3A_169 = arith.constant 0 : i32
    %dma_start3A_170 = tpu.memref_slice %arg12[%dma_start3A_168, %dma_start3A_169] : memref<32x512xf32, #tpu.memory_space<vmem>> -> memref<1x512xf32, #tpu.memory_space<vmem>>
    %dma_start3A_171 = tpu.memref_squeeze %dma_start3A_170 : memref<1x512xf32, #tpu.memory_space<vmem>> -> memref<512xf32, #tpu.memory_space<vmem>>
    %dma_start3A_172 = arith.constant 0 : i32
    %dma_start3A_173 = tpu.memref_slice %arg11[%dma_start3A_167, %dma_start3A_172] : memref<32x512xi32, #tpu.memory_space<vmem>> -> memref<1x512xi32, #tpu.memory_space<vmem>>
    %dma_start3A_174 = tpu.memref_squeeze %dma_start3A_173 : memref<1x512xi32, #tpu.memory_space<vmem>> -> memref<512xi32, #tpu.memory_space<vmem>>
    %dma_start3A_175 = arith.constant 0 : i32
    %dma_start3A_176 = tpu.memref_slice %arg4[%dma_start3A_175] : memref<16001024xf32, #tpu.memory_space<hbm>> -> memref<16001024xf32, #tpu.memory_space<hbm>>
    tpu.enqueue_indirect_dma source(%dma_start3A_176 : memref<16001024xf32, #tpu.memory_space<hbm>>) target(%dma_start3A_171 : memref<512xf32, #tpu.memory_space<vmem>>) offsets(%dma_start3A_174 : memref<512xi32, #tpu.memory_space<vmem>>) semaphore(%arg13 : memref<!tpu.dma_semaphore, #tpu.memory_space<semaphore_mem>>)
    %dma_start3A_177 = arith.constant 24 : i32
    %dma_start3A_178 = arith.constant 24 : i32
    %dma_start3A_179 = arith.constant 0 : i32
    %dma_start3A_180 = tpu.memref_slice %arg12[%dma_start3A_178, %dma_start3A_179] : memref<32x512xf32, #tpu.memory_space<vmem>> -> memref<1x512xf32, #tpu.memory_space<vmem>>
    %dma_start3A_181 = tpu.memref_squeeze %dma_start3A_180 : memref<1x512xf32, #tpu.memory_space<vmem>> -> memref<512xf32, #tpu.memory_space<vmem>>
    %dma_start3A_182 = arith.constant 0 : i32
    %dma_start3A_183 = tpu.memref_slice %arg11[%dma_start3A_177, %dma_start3A_182] : memref<32x512xi32, #tpu.memory_space<vmem>> -> memref<1x512xi32, #tpu.memory_space<vmem>>
    %dma_start3A_184 = tpu.memref_squeeze %dma_start3A_183 : memref<1x512xi32, #tpu.memory_space<vmem>> -> memref<512xi32, #tpu.memory_space<vmem>>
    %dma_start3A_185 = arith.constant 0 : i32
    %dma_start3A_186 = tpu.memref_slice %arg5[%dma_start3A_185] : memref<16001024xf32, #tpu.memory_space<hbm>> -> memref<16001024xf32, #tpu.memory_space<hbm>>
    tpu.enqueue_indirect_dma source(%dma_start3A_186 : memref<16001024xf32, #tpu.memory_space<hbm>>) target(%dma_start3A_181 : memref<512xf32, #tpu.memory_space<vmem>>) offsets(%dma_start3A_184 : memref<512xi32, #tpu.memory_space<vmem>>) semaphore(%arg13 : memref<!tpu.dma_semaphore, #tpu.memory_space<semaphore_mem>>)
    %dma_start3A_187 = arith.constant 9 : i32
    %dma_start3A_188 = arith.constant 9 : i32
    %dma_start3A_189 = arith.constant 0 : i32
    %dma_start3A_190 = tpu.memref_slice %arg12[%dma_start3A_188, %dma_start3A_189] : memref<32x512xf32, #tpu.memory_space<vmem>> -> memref<1x512xf32, #tpu.memory_space<vmem>>
    %dma_start3A_191 = tpu.memref_squeeze %dma_start3A_190 : memref<1x512xf32, #tpu.memory_space<vmem>> -> memref<512xf32, #tpu.memory_space<vmem>>
    %dma_start3A_192 = arith.constant 0 : i32
    %dma_start3A_193 = tpu.memref_slice %arg11[%dma_start3A_187, %dma_start3A_192] : memref<32x512xi32, #tpu.memory_space<vmem>> -> memref<1x512xi32, #tpu.memory_space<vmem>>
    %dma_start3A_194 = tpu.memref_squeeze %dma_start3A_193 : memref<1x512xi32, #tpu.memory_space<vmem>> -> memref<512xi32, #tpu.memory_space<vmem>>
    %dma_start3A_195 = arith.constant 0 : i32
    %dma_start3A_196 = tpu.memref_slice %arg4[%dma_start3A_195] : memref<16001024xf32, #tpu.memory_space<hbm>> -> memref<16001024xf32, #tpu.memory_space<hbm>>
    tpu.enqueue_indirect_dma source(%dma_start3A_196 : memref<16001024xf32, #tpu.memory_space<hbm>>) target(%dma_start3A_191 : memref<512xf32, #tpu.memory_space<vmem>>) offsets(%dma_start3A_194 : memref<512xi32, #tpu.memory_space<vmem>>) semaphore(%arg13 : memref<!tpu.dma_semaphore, #tpu.memory_space<semaphore_mem>>)
    %dma_start3A_197 = arith.constant 25 : i32
    %dma_start3A_198 = arith.constant 25 : i32
    %dma_start3A_199 = arith.constant 0 : i32
    %dma_start3A_200 = tpu.memref_slice %arg12[%dma_start3A_198, %dma_start3A_199] : memref<32x512xf32, #tpu.memory_space<vmem>> -> memref<1x512xf32, #tpu.memory_space<vmem>>
    %dma_start3A_201 = tpu.memref_squeeze %dma_start3A_200 : memref<1x512xf32, #tpu.memory_space<vmem>> -> memref<512xf32, #tpu.memory_space<vmem>>
    %dma_start3A_202 = arith.constant 0 : i32
    %dma_start3A_203 = tpu.memref_slice %arg11[%dma_start3A_197, %dma_start3A_202] : memref<32x512xi32, #tpu.memory_space<vmem>> -> memref<1x512xi32, #tpu.memory_space<vmem>>
    %dma_start3A_204 = tpu.memref_squeeze %dma_start3A_203 : memref<1x512xi32, #tpu.memory_space<vmem>> -> memref<512xi32, #tpu.memory_space<vmem>>
    %dma_start3A_205 = arith.constant 0 : i32
    %dma_start3A_206 = tpu.memref_slice %arg5[%dma_start3A_205] : memref<16001024xf32, #tpu.memory_space<hbm>> -> memref<16001024xf32, #tpu.memory_space<hbm>>
    tpu.enqueue_indirect_dma source(%dma_start3A_206 : memref<16001024xf32, #tpu.memory_space<hbm>>) target(%dma_start3A_201 : memref<512xf32, #tpu.memory_space<vmem>>) offsets(%dma_start3A_204 : memref<512xi32, #tpu.memory_space<vmem>>) semaphore(%arg13 : memref<!tpu.dma_semaphore, #tpu.memory_space<semaphore_mem>>)
    %dma_start3A_207 = arith.constant 10 : i32
    %dma_start3A_208 = arith.constant 10 : i32
    %dma_start3A_209 = arith.constant 0 : i32
    %dma_start3A_210 = tpu.memref_slice %arg12[%dma_start3A_208, %dma_start3A_209] : memref<32x512xf32, #tpu.memory_space<vmem>> -> memref<1x512xf32, #tpu.memory_space<vmem>>
    %dma_start3A_211 = tpu.memref_squeeze %dma_start3A_210 : memref<1x512xf32, #tpu.memory_space<vmem>> -> memref<512xf32, #tpu.memory_space<vmem>>
    %dma_start3A_212 = arith.constant 0 : i32
    %dma_start3A_213 = tpu.memref_slice %arg11[%dma_start3A_207, %dma_start3A_212] : memref<32x512xi32, #tpu.memory_space<vmem>> -> memref<1x512xi32, #tpu.memory_space<vmem>>
    %dma_start3A_214 = tpu.memref_squeeze %dma_start3A_213 : memref<1x512xi32, #tpu.memory_space<vmem>> -> memref<512xi32, #tpu.memory_space<vmem>>
    %dma_start3A_215 = arith.constant 0 : i32
    %dma_start3A_216 = tpu.memref_slice %arg4[%dma_start3A_215] : memref<16001024xf32, #tpu.memory_space<hbm>> -> memref<16001024xf32, #tpu.memory_space<hbm>>
    tpu.enqueue_indirect_dma source(%dma_start3A_216 : memref<16001024xf32, #tpu.memory_space<hbm>>) target(%dma_start3A_211 : memref<512xf32, #tpu.memory_space<vmem>>) offsets(%dma_start3A_214 : memref<512xi32, #tpu.memory_space<vmem>>) semaphore(%arg13 : memref<!tpu.dma_semaphore, #tpu.memory_space<semaphore_mem>>)
    %dma_start3A_217 = arith.constant 26 : i32
    %dma_start3A_218 = arith.constant 26 : i32
    %dma_start3A_219 = arith.constant 0 : i32
    %dma_start3A_220 = tpu.memref_slice %arg12[%dma_start3A_218, %dma_start3A_219] : memref<32x512xf32, #tpu.memory_space<vmem>> -> memref<1x512xf32, #tpu.memory_space<vmem>>
    %dma_start3A_221 = tpu.memref_squeeze %dma_start3A_220 : memref<1x512xf32, #tpu.memory_space<vmem>> -> memref<512xf32, #tpu.memory_space<vmem>>
    %dma_start3A_222 = arith.constant 0 : i32
    %dma_start3A_223 = tpu.memref_slice %arg11[%dma_start3A_217, %dma_start3A_222] : memref<32x512xi32, #tpu.memory_space<vmem>> -> memref<1x512xi32, #tpu.memory_space<vmem>>
    %dma_start3A_224 = tpu.memref_squeeze %dma_start3A_223 : memref<1x512xi32, #tpu.memory_space<vmem>> -> memref<512xi32, #tpu.memory_space<vmem>>
    %dma_start3A_225 = arith.constant 0 : i32
    %dma_start3A_226 = tpu.memref_slice %arg5[%dma_start3A_225] : memref<16001024xf32, #tpu.memory_space<hbm>> -> memref<16001024xf32, #tpu.memory_space<hbm>>
    tpu.enqueue_indirect_dma source(%dma_start3A_226 : memref<16001024xf32, #tpu.memory_space<hbm>>) target(%dma_start3A_221 : memref<512xf32, #tpu.memory_space<vmem>>) offsets(%dma_start3A_224 : memref<512xi32, #tpu.memory_space<vmem>>) semaphore(%arg13 : memref<!tpu.dma_semaphore, #tpu.memory_space<semaphore_mem>>)
    %dma_start3A_227 = arith.constant 11 : i32
    %dma_start3A_228 = arith.constant 11 : i32
    %dma_start3A_229 = arith.constant 0 : i32
    %dma_start3A_230 = tpu.memref_slice %arg12[%dma_start3A_228, %dma_start3A_229] : memref<32x512xf32, #tpu.memory_space<vmem>> -> memref<1x512xf32, #tpu.memory_space<vmem>>
    %dma_start3A_231 = tpu.memref_squeeze %dma_start3A_230 : memref<1x512xf32, #tpu.memory_space<vmem>> -> memref<512xf32, #tpu.memory_space<vmem>>
    %dma_start3A_232 = arith.constant 0 : i32
    %dma_start3A_233 = tpu.memref_slice %arg11[%dma_start3A_227, %dma_start3A_232] : memref<32x512xi32, #tpu.memory_space<vmem>> -> memref<1x512xi32, #tpu.memory_space<vmem>>
    %dma_start3A_234 = tpu.memref_squeeze %dma_start3A_233 : memref<1x512xi32, #tpu.memory_space<vmem>> -> memref<512xi32, #tpu.memory_space<vmem>>
    %dma_start3A_235 = arith.constant 0 : i32
    %dma_start3A_236 = tpu.memref_slice %arg4[%dma_start3A_235] : memref<16001024xf32, #tpu.memory_space<hbm>> -> memref<16001024xf32, #tpu.memory_space<hbm>>
    tpu.enqueue_indirect_dma source(%dma_start3A_236 : memref<16001024xf32, #tpu.memory_space<hbm>>) target(%dma_start3A_231 : memref<512xf32, #tpu.memory_space<vmem>>) offsets(%dma_start3A_234 : memref<512xi32, #tpu.memory_space<vmem>>) semaphore(%arg13 : memref<!tpu.dma_semaphore, #tpu.memory_space<semaphore_mem>>)
    %dma_start3A_237 = arith.constant 27 : i32
    %dma_start3A_238 = arith.constant 27 : i32
    %dma_start3A_239 = arith.constant 0 : i32
    %dma_start3A_240 = tpu.memref_slice %arg12[%dma_start3A_238, %dma_start3A_239] : memref<32x512xf32, #tpu.memory_space<vmem>> -> memref<1x512xf32, #tpu.memory_space<vmem>>
    %dma_start3A_241 = tpu.memref_squeeze %dma_start3A_240 : memref<1x512xf32, #tpu.memory_space<vmem>> -> memref<512xf32, #tpu.memory_space<vmem>>
    %dma_start3A_242 = arith.constant 0 : i32
    %dma_start3A_243 = tpu.memref_slice %arg11[%dma_start3A_237, %dma_start3A_242] : memref<32x512xi32, #tpu.memory_space<vmem>> -> memref<1x512xi32, #tpu.memory_space<vmem>>
    %dma_start3A_244 = tpu.memref_squeeze %dma_start3A_243 : memref<1x512xi32, #tpu.memory_space<vmem>> -> memref<512xi32, #tpu.memory_space<vmem>>
    %dma_start3A_245 = arith.constant 0 : i32
    %dma_start3A_246 = tpu.memref_slice %arg5[%dma_start3A_245] : memref<16001024xf32, #tpu.memory_space<hbm>> -> memref<16001024xf32, #tpu.memory_space<hbm>>
    tpu.enqueue_indirect_dma source(%dma_start3A_246 : memref<16001024xf32, #tpu.memory_space<hbm>>) target(%dma_start3A_241 : memref<512xf32, #tpu.memory_space<vmem>>) offsets(%dma_start3A_244 : memref<512xi32, #tpu.memory_space<vmem>>) semaphore(%arg13 : memref<!tpu.dma_semaphore, #tpu.memory_space<semaphore_mem>>)
    %dma_start3A_247 = arith.constant 12 : i32
    %dma_start3A_248 = arith.constant 12 : i32
    %dma_start3A_249 = arith.constant 0 : i32
    %dma_start3A_250 = tpu.memref_slice %arg12[%dma_start3A_248, %dma_start3A_249] : memref<32x512xf32, #tpu.memory_space<vmem>> -> memref<1x512xf32, #tpu.memory_space<vmem>>
    %dma_start3A_251 = tpu.memref_squeeze %dma_start3A_250 : memref<1x512xf32, #tpu.memory_space<vmem>> -> memref<512xf32, #tpu.memory_space<vmem>>
    %dma_start3A_252 = arith.constant 0 : i32
    %dma_start3A_253 = tpu.memref_slice %arg11[%dma_start3A_247, %dma_start3A_252] : memref<32x512xi32, #tpu.memory_space<vmem>> -> memref<1x512xi32, #tpu.memory_space<vmem>>
    %dma_start3A_254 = tpu.memref_squeeze %dma_start3A_253 : memref<1x512xi32, #tpu.memory_space<vmem>> -> memref<512xi32, #tpu.memory_space<vmem>>
    %dma_start3A_255 = arith.constant 0 : i32
    %dma_start3A_256 = tpu.memref_slice %arg4[%dma_start3A_255] : memref<16001024xf32, #tpu.memory_space<hbm>> -> memref<16001024xf32, #tpu.memory_space<hbm>>
    tpu.enqueue_indirect_dma source(%dma_start3A_256 : memref<16001024xf32, #tpu.memory_space<hbm>>) target(%dma_start3A_251 : memref<512xf32, #tpu.memory_space<vmem>>) offsets(%dma_start3A_254 : memref<512xi32, #tpu.memory_space<vmem>>) semaphore(%arg13 : memref<!tpu.dma_semaphore, #tpu.memory_space<semaphore_mem>>)
    %dma_start3A_257 = arith.constant 28 : i32
    %dma_start3A_258 = arith.constant 28 : i32
    %dma_start3A_259 = arith.constant 0 : i32
    %dma_start3A_260 = tpu.memref_slice %arg12[%dma_start3A_258, %dma_start3A_259] : memref<32x512xf32, #tpu.memory_space<vmem>> -> memref<1x512xf32, #tpu.memory_space<vmem>>
    %dma_start3A_261 = tpu.memref_squeeze %dma_start3A_260 : memref<1x512xf32, #tpu.memory_space<vmem>> -> memref<512xf32, #tpu.memory_space<vmem>>
    %dma_start3A_262 = arith.constant 0 : i32
    %dma_start3A_263 = tpu.memref_slice %arg11[%dma_start3A_257, %dma_start3A_262] : memref<32x512xi32, #tpu.memory_space<vmem>> -> memref<1x512xi32, #tpu.memory_space<vmem>>
    %dma_start3A_264 = tpu.memref_squeeze %dma_start3A_263 : memref<1x512xi32, #tpu.memory_space<vmem>> -> memref<512xi32, #tpu.memory_space<vmem>>
    %dma_start3A_265 = arith.constant 0 : i32
    %dma_start3A_266 = tpu.memref_slice %arg5[%dma_start3A_265] : memref<16001024xf32, #tpu.memory_space<hbm>> -> memref<16001024xf32, #tpu.memory_space<hbm>>
    tpu.enqueue_indirect_dma source(%dma_start3A_266 : memref<16001024xf32, #tpu.memory_space<hbm>>) target(%dma_start3A_261 : memref<512xf32, #tpu.memory_space<vmem>>) offsets(%dma_start3A_264 : memref<512xi32, #tpu.memory_space<vmem>>) semaphore(%arg13 : memref<!tpu.dma_semaphore, #tpu.memory_space<semaphore_mem>>)
    %dma_start3A_267 = arith.constant 13 : i32
    %dma_start3A_268 = arith.constant 13 : i32
    %dma_start3A_269 = arith.constant 0 : i32
    %dma_start3A_270 = tpu.memref_slice %arg12[%dma_start3A_268, %dma_start3A_269] : memref<32x512xf32, #tpu.memory_space<vmem>> -> memref<1x512xf32, #tpu.memory_space<vmem>>
    %dma_start3A_271 = tpu.memref_squeeze %dma_start3A_270 : memref<1x512xf32, #tpu.memory_space<vmem>> -> memref<512xf32, #tpu.memory_space<vmem>>
    %dma_start3A_272 = arith.constant 0 : i32
    %dma_start3A_273 = tpu.memref_slice %arg11[%dma_start3A_267, %dma_start3A_272] : memref<32x512xi32, #tpu.memory_space<vmem>> -> memref<1x512xi32, #tpu.memory_space<vmem>>
    %dma_start3A_274 = tpu.memref_squeeze %dma_start3A_273 : memref<1x512xi32, #tpu.memory_space<vmem>> -> memref<512xi32, #tpu.memory_space<vmem>>
    %dma_start3A_275 = arith.constant 0 : i32
    %dma_start3A_276 = tpu.memref_slice %arg4[%dma_start3A_275] : memref<16001024xf32, #tpu.memory_space<hbm>> -> memref<16001024xf32, #tpu.memory_space<hbm>>
    tpu.enqueue_indirect_dma source(%dma_start3A_276 : memref<16001024xf32, #tpu.memory_space<hbm>>) target(%dma_start3A_271 : memref<512xf32, #tpu.memory_space<vmem>>) offsets(%dma_start3A_274 : memref<512xi32, #tpu.memory_space<vmem>>) semaphore(%arg13 : memref<!tpu.dma_semaphore, #tpu.memory_space<semaphore_mem>>)
    %dma_start3A_277 = arith.constant 29 : i32
    %dma_start3A_278 = arith.constant 29 : i32
    %dma_start3A_279 = arith.constant 0 : i32
    %dma_start3A_280 = tpu.memref_slice %arg12[%dma_start3A_278, %dma_start3A_279] : memref<32x512xf32, #tpu.memory_space<vmem>> -> memref<1x512xf32, #tpu.memory_space<vmem>>
    %dma_start3A_281 = tpu.memref_squeeze %dma_start3A_280 : memref<1x512xf32, #tpu.memory_space<vmem>> -> memref<512xf32, #tpu.memory_space<vmem>>
    %dma_start3A_282 = arith.constant 0 : i32
    %dma_start3A_283 = tpu.memref_slice %arg11[%dma_start3A_277, %dma_start3A_282] : memref<32x512xi32, #tpu.memory_space<vmem>> -> memref<1x512xi32, #tpu.memory_space<vmem>>
    %dma_start3A_284 = tpu.memref_squeeze %dma_start3A_283 : memref<1x512xi32, #tpu.memory_space<vmem>> -> memref<512xi32, #tpu.memory_space<vmem>>
    %dma_start3A_285 = arith.constant 0 : i32
    %dma_start3A_286 = tpu.memref_slice %arg5[%dma_start3A_285] : memref<16001024xf32, #tpu.memory_space<hbm>> -> memref<16001024xf32, #tpu.memory_space<hbm>>
    tpu.enqueue_indirect_dma source(%dma_start3A_286 : memref<16001024xf32, #tpu.memory_space<hbm>>) target(%dma_start3A_281 : memref<512xf32, #tpu.memory_space<vmem>>) offsets(%dma_start3A_284 : memref<512xi32, #tpu.memory_space<vmem>>) semaphore(%arg13 : memref<!tpu.dma_semaphore, #tpu.memory_space<semaphore_mem>>)
    %dma_start3A_287 = arith.constant 14 : i32
    %dma_start3A_288 = arith.constant 14 : i32
    %dma_start3A_289 = arith.constant 0 : i32
    %dma_start3A_290 = tpu.memref_slice %arg12[%dma_start3A_288, %dma_start3A_289] : memref<32x512xf32, #tpu.memory_space<vmem>> -> memref<1x512xf32, #tpu.memory_space<vmem>>
    %dma_start3A_291 = tpu.memref_squeeze %dma_start3A_290 : memref<1x512xf32, #tpu.memory_space<vmem>> -> memref<512xf32, #tpu.memory_space<vmem>>
    %dma_start3A_292 = arith.constant 0 : i32
    %dma_start3A_293 = tpu.memref_slice %arg11[%dma_start3A_287, %dma_start3A_292] : memref<32x512xi32, #tpu.memory_space<vmem>> -> memref<1x512xi32, #tpu.memory_space<vmem>>
    %dma_start3A_294 = tpu.memref_squeeze %dma_start3A_293 : memref<1x512xi32, #tpu.memory_space<vmem>> -> memref<512xi32, #tpu.memory_space<vmem>>
    %dma_start3A_295 = arith.constant 0 : i32
    %dma_start3A_296 = tpu.memref_slice %arg4[%dma_start3A_295] : memref<16001024xf32, #tpu.memory_space<hbm>> -> memref<16001024xf32, #tpu.memory_space<hbm>>
    tpu.enqueue_indirect_dma source(%dma_start3A_296 : memref<16001024xf32, #tpu.memory_space<hbm>>) target(%dma_start3A_291 : memref<512xf32, #tpu.memory_space<vmem>>) offsets(%dma_start3A_294 : memref<512xi32, #tpu.memory_space<vmem>>) semaphore(%arg13 : memref<!tpu.dma_semaphore, #tpu.memory_space<semaphore_mem>>)
    %dma_start3A_297 = arith.constant 30 : i32
    %dma_start3A_298 = arith.constant 30 : i32
    %dma_start3A_299 = arith.constant 0 : i32
    %dma_start3A_300 = tpu.memref_slice %arg12[%dma_start3A_298, %dma_start3A_299] : memref<32x512xf32, #tpu.memory_space<vmem>> -> memref<1x512xf32, #tpu.memory_space<vmem>>
    %dma_start3A_301 = tpu.memref_squeeze %dma_start3A_300 : memref<1x512xf32, #tpu.memory_space<vmem>> -> memref<512xf32, #tpu.memory_space<vmem>>
    %dma_start3A_302 = arith.constant 0 : i32
    %dma_start3A_303 = tpu.memref_slice %arg11[%dma_start3A_297, %dma_start3A_302] : memref<32x512xi32, #tpu.memory_space<vmem>> -> memref<1x512xi32, #tpu.memory_space<vmem>>
    %dma_start3A_304 = tpu.memref_squeeze %dma_start3A_303 : memref<1x512xi32, #tpu.memory_space<vmem>> -> memref<512xi32, #tpu.memory_space<vmem>>
    %dma_start3A_305 = arith.constant 0 : i32
    %dma_start3A_306 = tpu.memref_slice %arg5[%dma_start3A_305] : memref<16001024xf32, #tpu.memory_space<hbm>> -> memref<16001024xf32, #tpu.memory_space<hbm>>
    tpu.enqueue_indirect_dma source(%dma_start3A_306 : memref<16001024xf32, #tpu.memory_space<hbm>>) target(%dma_start3A_301 : memref<512xf32, #tpu.memory_space<vmem>>) offsets(%dma_start3A_304 : memref<512xi32, #tpu.memory_space<vmem>>) semaphore(%arg13 : memref<!tpu.dma_semaphore, #tpu.memory_space<semaphore_mem>>)
    %dma_start3A_307 = arith.constant 15 : i32
    %dma_start3A_308 = arith.constant 15 : i32
    %dma_start3A_309 = arith.constant 0 : i32
    %dma_start3A_310 = tpu.memref_slice %arg12[%dma_start3A_308, %dma_start3A_309] : memref<32x512xf32, #tpu.memory_space<vmem>> -> memref<1x512xf32, #tpu.memory_space<vmem>>
    %dma_start3A_311 = tpu.memref_squeeze %dma_start3A_310 : memref<1x512xf32, #tpu.memory_space<vmem>> -> memref<512xf32, #tpu.memory_space<vmem>>
    %dma_start3A_312 = arith.constant 0 : i32
    %dma_start3A_313 = tpu.memref_slice %arg11[%dma_start3A_307, %dma_start3A_312] : memref<32x512xi32, #tpu.memory_space<vmem>> -> memref<1x512xi32, #tpu.memory_space<vmem>>
    %dma_start3A_314 = tpu.memref_squeeze %dma_start3A_313 : memref<1x512xi32, #tpu.memory_space<vmem>> -> memref<512xi32, #tpu.memory_space<vmem>>
    %dma_start3A_315 = arith.constant 0 : i32
    %dma_start3A_316 = tpu.memref_slice %arg4[%dma_start3A_315] : memref<16001024xf32, #tpu.memory_space<hbm>> -> memref<16001024xf32, #tpu.memory_space<hbm>>
    tpu.enqueue_indirect_dma source(%dma_start3A_316 : memref<16001024xf32, #tpu.memory_space<hbm>>) target(%dma_start3A_311 : memref<512xf32, #tpu.memory_space<vmem>>) offsets(%dma_start3A_314 : memref<512xi32, #tpu.memory_space<vmem>>) semaphore(%arg13 : memref<!tpu.dma_semaphore, #tpu.memory_space<semaphore_mem>>)
    %dma_start3A_317 = arith.constant 31 : i32
    %dma_start3A_318 = arith.constant 31 : i32
    %dma_start3A_319 = arith.constant 0 : i32
    %dma_start3A_320 = tpu.memref_slice %arg12[%dma_start3A_318, %dma_start3A_319] : memref<32x512xf32, #tpu.memory_space<vmem>> -> memref<1x512xf32, #tpu.memory_space<vmem>>
    %dma_start3A_321 = tpu.memref_squeeze %dma_start3A_320 : memref<1x512xf32, #tpu.memory_space<vmem>> -> memref<512xf32, #tpu.memory_space<vmem>>
    %dma_start3A_322 = arith.constant 0 : i32
    %dma_start3A_323 = tpu.memref_slice %arg11[%dma_start3A_317, %dma_start3A_322] : memref<32x512xi32, #tpu.memory_space<vmem>> -> memref<1x512xi32, #tpu.memory_space<vmem>>
    %dma_start3A_324 = tpu.memref_squeeze %dma_start3A_323 : memref<1x512xi32, #tpu.memory_space<vmem>> -> memref<512xi32, #tpu.memory_space<vmem>>
    %dma_start3A_325 = arith.constant 0 : i32
    %dma_start3A_326 = tpu.memref_slice %arg5[%dma_start3A_325] : memref<16001024xf32, #tpu.memory_space<hbm>> -> memref<16001024xf32, #tpu.memory_space<hbm>>
    tpu.enqueue_indirect_dma source(%dma_start3A_326 : memref<16001024xf32, #tpu.memory_space<hbm>>) target(%dma_start3A_321 : memref<512xf32, #tpu.memory_space<vmem>>) offsets(%dma_start3A_324 : memref<512xi32, #tpu.memory_space<vmem>>) semaphore(%arg13 : memref<!tpu.dma_semaphore, #tpu.memory_space<semaphore_mem>>)
    %dma_wait3A = arith.constant 0 : i32
    %dma_wait3A_327 = arith.constant 0 : i32
    %dma_wait3A_328 = arith.constant 0 : i32
    %dma_wait3A_329 = tpu.memref_slice %arg12[%dma_wait3A_327, %dma_wait3A_328] : memref<32x512xf32, #tpu.memory_space<vmem>> -> memref<1x512xf32, #tpu.memory_space<vmem>>
    %dma_wait3A_330 = tpu.memref_squeeze %dma_wait3A_329 : memref<1x512xf32, #tpu.memory_space<vmem>> -> memref<512xf32, #tpu.memory_space<vmem>>
    %dma_wait3A_331 = arith.constant 0 : i32
    %dma_wait3A_332 = tpu.memref_slice %arg11[%dma_wait3A, %dma_wait3A_331] : memref<32x512xi32, #tpu.memory_space<vmem>> -> memref<1x512xi32, #tpu.memory_space<vmem>>
    %dma_wait3A_333 = tpu.memref_squeeze %dma_wait3A_332 : memref<1x512xi32, #tpu.memory_space<vmem>> -> memref<512xi32, #tpu.memory_space<vmem>>
    %dma_wait3A_334 = arith.constant 0 : i32
    %dma_wait3A_335 = tpu.memref_slice %arg4[%dma_wait3A_334] : memref<16001024xf32, #tpu.memory_space<hbm>> -> memref<16001024xf32, #tpu.memory_space<hbm>>
    tpu.wait_indirect_dma semaphore(%arg13 : memref<!tpu.dma_semaphore, #tpu.memory_space<semaphore_mem>>) src(%dma_wait3A_335 : memref<16001024xf32, #tpu.memory_space<hbm>>) dst(%dma_wait3A_330 : memref<512xf32, #tpu.memory_space<vmem>>)
    %dma_wait3A_336 = arith.constant 16 : i32
    %dma_wait3A_337 = arith.constant 16 : i32
    %dma_wait3A_338 = arith.constant 0 : i32
    %dma_wait3A_339 = tpu.memref_slice %arg12[%dma_wait3A_337, %dma_wait3A_338] : memref<32x512xf32, #tpu.memory_space<vmem>> -> memref<1x512xf32, #tpu.memory_space<vmem>>
    %dma_wait3A_340 = tpu.memref_squeeze %dma_wait3A_339 : memref<1x512xf32, #tpu.memory_space<vmem>> -> memref<512xf32, #tpu.memory_space<vmem>>
    %dma_wait3A_341 = arith.constant 0 : i32
    %dma_wait3A_342 = tpu.memref_slice %arg11[%dma_wait3A_336, %dma_wait3A_341] : memref<32x512xi32, #tpu.memory_space<vmem>> -> memref<1x512xi32, #tpu.memory_space<vmem>>
    %dma_wait3A_343 = tpu.memref_squeeze %dma_wait3A_342 : memref<1x512xi32, #tpu.memory_space<vmem>> -> memref<512xi32, #tpu.memory_space<vmem>>
    %dma_wait3A_344 = arith.constant 0 : i32
    %dma_wait3A_345 = tpu.memref_slice %arg5[%dma_wait3A_344] : memref<16001024xf32, #tpu.memory_space<hbm>> -> memref<16001024xf32, #tpu.memory_space<hbm>>
    tpu.wait_indirect_dma semaphore(%arg13 : memref<!tpu.dma_semaphore, #tpu.memory_space<semaphore_mem>>) src(%dma_wait3A_345 : memref<16001024xf32, #tpu.memory_space<hbm>>) dst(%dma_wait3A_340 : memref<512xf32, #tpu.memory_space<vmem>>)
    %dma_wait3A_346 = arith.constant 1 : i32
    %dma_wait3A_347 = arith.constant 1 : i32
    %dma_wait3A_348 = arith.constant 0 : i32
    %dma_wait3A_349 = tpu.memref_slice %arg12[%dma_wait3A_347, %dma_wait3A_348] : memref<32x512xf32, #tpu.memory_space<vmem>> -> memref<1x512xf32, #tpu.memory_space<vmem>>
    %dma_wait3A_350 = tpu.memref_squeeze %dma_wait3A_349 : memref<1x512xf32, #tpu.memory_space<vmem>> -> memref<512xf32, #tpu.memory_space<vmem>>
    %dma_wait3A_351 = arith.constant 0 : i32
    %dma_wait3A_352 = tpu.memref_slice %arg11[%dma_wait3A_346, %dma_wait3A_351] : memref<32x512xi32, #tpu.memory_space<vmem>> -> memref<1x512xi32, #tpu.memory_space<vmem>>
    %dma_wait3A_353 = tpu.memref_squeeze %dma_wait3A_352 : memref<1x512xi32, #tpu.memory_space<vmem>> -> memref<512xi32, #tpu.memory_space<vmem>>
    %dma_wait3A_354 = arith.constant 0 : i32
    %dma_wait3A_355 = tpu.memref_slice %arg4[%dma_wait3A_354] : memref<16001024xf32, #tpu.memory_space<hbm>> -> memref<16001024xf32, #tpu.memory_space<hbm>>
    tpu.wait_indirect_dma semaphore(%arg13 : memref<!tpu.dma_semaphore, #tpu.memory_space<semaphore_mem>>) src(%dma_wait3A_355 : memref<16001024xf32, #tpu.memory_space<hbm>>) dst(%dma_wait3A_350 : memref<512xf32, #tpu.memory_space<vmem>>)
    %dma_wait3A_356 = arith.constant 17 : i32
    %dma_wait3A_357 = arith.constant 17 : i32
    %dma_wait3A_358 = arith.constant 0 : i32
    %dma_wait3A_359 = tpu.memref_slice %arg12[%dma_wait3A_357, %dma_wait3A_358] : memref<32x512xf32, #tpu.memory_space<vmem>> -> memref<1x512xf32, #tpu.memory_space<vmem>>
    %dma_wait3A_360 = tpu.memref_squeeze %dma_wait3A_359 : memref<1x512xf32, #tpu.memory_space<vmem>> -> memref<512xf32, #tpu.memory_space<vmem>>
    %dma_wait3A_361 = arith.constant 0 : i32
    %dma_wait3A_362 = tpu.memref_slice %arg11[%dma_wait3A_356, %dma_wait3A_361] : memref<32x512xi32, #tpu.memory_space<vmem>> -> memref<1x512xi32, #tpu.memory_space<vmem>>
    %dma_wait3A_363 = tpu.memref_squeeze %dma_wait3A_362 : memref<1x512xi32, #tpu.memory_space<vmem>> -> memref<512xi32, #tpu.memory_space<vmem>>
    %dma_wait3A_364 = arith.constant 0 : i32
    %dma_wait3A_365 = tpu.memref_slice %arg5[%dma_wait3A_364] : memref<16001024xf32, #tpu.memory_space<hbm>> -> memref<16001024xf32, #tpu.memory_space<hbm>>
    tpu.wait_indirect_dma semaphore(%arg13 : memref<!tpu.dma_semaphore, #tpu.memory_space<semaphore_mem>>) src(%dma_wait3A_365 : memref<16001024xf32, #tpu.memory_space<hbm>>) dst(%dma_wait3A_360 : memref<512xf32, #tpu.memory_space<vmem>>)
    %dma_wait3A_366 = arith.constant 2 : i32
    %dma_wait3A_367 = arith.constant 2 : i32
    %dma_wait3A_368 = arith.constant 0 : i32
    %dma_wait3A_369 = tpu.memref_slice %arg12[%dma_wait3A_367, %dma_wait3A_368] : memref<32x512xf32, #tpu.memory_space<vmem>> -> memref<1x512xf32, #tpu.memory_space<vmem>>
    %dma_wait3A_370 = tpu.memref_squeeze %dma_wait3A_369 : memref<1x512xf32, #tpu.memory_space<vmem>> -> memref<512xf32, #tpu.memory_space<vmem>>
    %dma_wait3A_371 = arith.constant 0 : i32
    %dma_wait3A_372 = tpu.memref_slice %arg11[%dma_wait3A_366, %dma_wait3A_371] : memref<32x512xi32, #tpu.memory_space<vmem>> -> memref<1x512xi32, #tpu.memory_space<vmem>>
    %dma_wait3A_373 = tpu.memref_squeeze %dma_wait3A_372 : memref<1x512xi32, #tpu.memory_space<vmem>> -> memref<512xi32, #tpu.memory_space<vmem>>
    %dma_wait3A_374 = arith.constant 0 : i32
    %dma_wait3A_375 = tpu.memref_slice %arg4[%dma_wait3A_374] : memref<16001024xf32, #tpu.memory_space<hbm>> -> memref<16001024xf32, #tpu.memory_space<hbm>>
    tpu.wait_indirect_dma semaphore(%arg13 : memref<!tpu.dma_semaphore, #tpu.memory_space<semaphore_mem>>) src(%dma_wait3A_375 : memref<16001024xf32, #tpu.memory_space<hbm>>) dst(%dma_wait3A_370 : memref<512xf32, #tpu.memory_space<vmem>>)
    %dma_wait3A_376 = arith.constant 18 : i32
    %dma_wait3A_377 = arith.constant 18 : i32
    %dma_wait3A_378 = arith.constant 0 : i32
    %dma_wait3A_379 = tpu.memref_slice %arg12[%dma_wait3A_377, %dma_wait3A_378] : memref<32x512xf32, #tpu.memory_space<vmem>> -> memref<1x512xf32, #tpu.memory_space<vmem>>
    %dma_wait3A_380 = tpu.memref_squeeze %dma_wait3A_379 : memref<1x512xf32, #tpu.memory_space<vmem>> -> memref<512xf32, #tpu.memory_space<vmem>>
    %dma_wait3A_381 = arith.constant 0 : i32
    %dma_wait3A_382 = tpu.memref_slice %arg11[%dma_wait3A_376, %dma_wait3A_381] : memref<32x512xi32, #tpu.memory_space<vmem>> -> memref<1x512xi32, #tpu.memory_space<vmem>>
    %dma_wait3A_383 = tpu.memref_squeeze %dma_wait3A_382 : memref<1x512xi32, #tpu.memory_space<vmem>> -> memref<512xi32, #tpu.memory_space<vmem>>
    %dma_wait3A_384 = arith.constant 0 : i32
    %dma_wait3A_385 = tpu.memref_slice %arg5[%dma_wait3A_384] : memref<16001024xf32, #tpu.memory_space<hbm>> -> memref<16001024xf32, #tpu.memory_space<hbm>>
    tpu.wait_indirect_dma semaphore(%arg13 : memref<!tpu.dma_semaphore, #tpu.memory_space<semaphore_mem>>) src(%dma_wait3A_385 : memref<16001024xf32, #tpu.memory_space<hbm>>) dst(%dma_wait3A_380 : memref<512xf32, #tpu.memory_space<vmem>>)
    %dma_wait3A_386 = arith.constant 3 : i32
    %dma_wait3A_387 = arith.constant 3 : i32
    %dma_wait3A_388 = arith.constant 0 : i32
    %dma_wait3A_389 = tpu.memref_slice %arg12[%dma_wait3A_387, %dma_wait3A_388] : memref<32x512xf32, #tpu.memory_space<vmem>> -> memref<1x512xf32, #tpu.memory_space<vmem>>
    %dma_wait3A_390 = tpu.memref_squeeze %dma_wait3A_389 : memref<1x512xf32, #tpu.memory_space<vmem>> -> memref<512xf32, #tpu.memory_space<vmem>>
    %dma_wait3A_391 = arith.constant 0 : i32
    %dma_wait3A_392 = tpu.memref_slice %arg11[%dma_wait3A_386, %dma_wait3A_391] : memref<32x512xi32, #tpu.memory_space<vmem>> -> memref<1x512xi32, #tpu.memory_space<vmem>>
    %dma_wait3A_393 = tpu.memref_squeeze %dma_wait3A_392 : memref<1x512xi32, #tpu.memory_space<vmem>> -> memref<512xi32, #tpu.memory_space<vmem>>
    %dma_wait3A_394 = arith.constant 0 : i32
    %dma_wait3A_395 = tpu.memref_slice %arg4[%dma_wait3A_394] : memref<16001024xf32, #tpu.memory_space<hbm>> -> memref<16001024xf32, #tpu.memory_space<hbm>>
    tpu.wait_indirect_dma semaphore(%arg13 : memref<!tpu.dma_semaphore, #tpu.memory_space<semaphore_mem>>) src(%dma_wait3A_395 : memref<16001024xf32, #tpu.memory_space<hbm>>) dst(%dma_wait3A_390 : memref<512xf32, #tpu.memory_space<vmem>>)
    %dma_wait3A_396 = arith.constant 19 : i32
    %dma_wait3A_397 = arith.constant 19 : i32
    %dma_wait3A_398 = arith.constant 0 : i32
    %dma_wait3A_399 = tpu.memref_slice %arg12[%dma_wait3A_397, %dma_wait3A_398] : memref<32x512xf32, #tpu.memory_space<vmem>> -> memref<1x512xf32, #tpu.memory_space<vmem>>
    %dma_wait3A_400 = tpu.memref_squeeze %dma_wait3A_399 : memref<1x512xf32, #tpu.memory_space<vmem>> -> memref<512xf32, #tpu.memory_space<vmem>>
    %dma_wait3A_401 = arith.constant 0 : i32
    %dma_wait3A_402 = tpu.memref_slice %arg11[%dma_wait3A_396, %dma_wait3A_401] : memref<32x512xi32, #tpu.memory_space<vmem>> -> memref<1x512xi32, #tpu.memory_space<vmem>>
    %dma_wait3A_403 = tpu.memref_squeeze %dma_wait3A_402 : memref<1x512xi32, #tpu.memory_space<vmem>> -> memref<512xi32, #tpu.memory_space<vmem>>
    %dma_wait3A_404 = arith.constant 0 : i32
    %dma_wait3A_405 = tpu.memref_slice %arg5[%dma_wait3A_404] : memref<16001024xf32, #tpu.memory_space<hbm>> -> memref<16001024xf32, #tpu.memory_space<hbm>>
    tpu.wait_indirect_dma semaphore(%arg13 : memref<!tpu.dma_semaphore, #tpu.memory_space<semaphore_mem>>) src(%dma_wait3A_405 : memref<16001024xf32, #tpu.memory_space<hbm>>) dst(%dma_wait3A_400 : memref<512xf32, #tpu.memory_space<vmem>>)
    %dma_wait3A_406 = arith.constant 4 : i32
    %dma_wait3A_407 = arith.constant 4 : i32
    %dma_wait3A_408 = arith.constant 0 : i32
    %dma_wait3A_409 = tpu.memref_slice %arg12[%dma_wait3A_407, %dma_wait3A_408] : memref<32x512xf32, #tpu.memory_space<vmem>> -> memref<1x512xf32, #tpu.memory_space<vmem>>
    %dma_wait3A_410 = tpu.memref_squeeze %dma_wait3A_409 : memref<1x512xf32, #tpu.memory_space<vmem>> -> memref<512xf32, #tpu.memory_space<vmem>>
    %dma_wait3A_411 = arith.constant 0 : i32
    %dma_wait3A_412 = tpu.memref_slice %arg11[%dma_wait3A_406, %dma_wait3A_411] : memref<32x512xi32, #tpu.memory_space<vmem>> -> memref<1x512xi32, #tpu.memory_space<vmem>>
    %dma_wait3A_413 = tpu.memref_squeeze %dma_wait3A_412 : memref<1x512xi32, #tpu.memory_space<vmem>> -> memref<512xi32, #tpu.memory_space<vmem>>
    %dma_wait3A_414 = arith.constant 0 : i32
    %dma_wait3A_415 = tpu.memref_slice %arg4[%dma_wait3A_414] : memref<16001024xf32, #tpu.memory_space<hbm>> -> memref<16001024xf32, #tpu.memory_space<hbm>>
    tpu.wait_indirect_dma semaphore(%arg13 : memref<!tpu.dma_semaphore, #tpu.memory_space<semaphore_mem>>) src(%dma_wait3A_415 : memref<16001024xf32, #tpu.memory_space<hbm>>) dst(%dma_wait3A_410 : memref<512xf32, #tpu.memory_space<vmem>>)
    %dma_wait3A_416 = arith.constant 20 : i32
    %dma_wait3A_417 = arith.constant 20 : i32
    %dma_wait3A_418 = arith.constant 0 : i32
    %dma_wait3A_419 = tpu.memref_slice %arg12[%dma_wait3A_417, %dma_wait3A_418] : memref<32x512xf32, #tpu.memory_space<vmem>> -> memref<1x512xf32, #tpu.memory_space<vmem>>
    %dma_wait3A_420 = tpu.memref_squeeze %dma_wait3A_419 : memref<1x512xf32, #tpu.memory_space<vmem>> -> memref<512xf32, #tpu.memory_space<vmem>>
    %dma_wait3A_421 = arith.constant 0 : i32
    %dma_wait3A_422 = tpu.memref_slice %arg11[%dma_wait3A_416, %dma_wait3A_421] : memref<32x512xi32, #tpu.memory_space<vmem>> -> memref<1x512xi32, #tpu.memory_space<vmem>>
    %dma_wait3A_423 = tpu.memref_squeeze %dma_wait3A_422 : memref<1x512xi32, #tpu.memory_space<vmem>> -> memref<512xi32, #tpu.memory_space<vmem>>
    %dma_wait3A_424 = arith.constant 0 : i32
    %dma_wait3A_425 = tpu.memref_slice %arg5[%dma_wait3A_424] : memref<16001024xf32, #tpu.memory_space<hbm>> -> memref<16001024xf32, #tpu.memory_space<hbm>>
    tpu.wait_indirect_dma semaphore(%arg13 : memref<!tpu.dma_semaphore, #tpu.memory_space<semaphore_mem>>) src(%dma_wait3A_425 : memref<16001024xf32, #tpu.memory_space<hbm>>) dst(%dma_wait3A_420 : memref<512xf32, #tpu.memory_space<vmem>>)
    %dma_wait3A_426 = arith.constant 5 : i32
    %dma_wait3A_427 = arith.constant 5 : i32
    %dma_wait3A_428 = arith.constant 0 : i32
    %dma_wait3A_429 = tpu.memref_slice %arg12[%dma_wait3A_427, %dma_wait3A_428] : memref<32x512xf32, #tpu.memory_space<vmem>> -> memref<1x512xf32, #tpu.memory_space<vmem>>
    %dma_wait3A_430 = tpu.memref_squeeze %dma_wait3A_429 : memref<1x512xf32, #tpu.memory_space<vmem>> -> memref<512xf32, #tpu.memory_space<vmem>>
    %dma_wait3A_431 = arith.constant 0 : i32
    %dma_wait3A_432 = tpu.memref_slice %arg11[%dma_wait3A_426, %dma_wait3A_431] : memref<32x512xi32, #tpu.memory_space<vmem>> -> memref<1x512xi32, #tpu.memory_space<vmem>>
    %dma_wait3A_433 = tpu.memref_squeeze %dma_wait3A_432 : memref<1x512xi32, #tpu.memory_space<vmem>> -> memref<512xi32, #tpu.memory_space<vmem>>
    %dma_wait3A_434 = arith.constant 0 : i32
    %dma_wait3A_435 = tpu.memref_slice %arg4[%dma_wait3A_434] : memref<16001024xf32, #tpu.memory_space<hbm>> -> memref<16001024xf32, #tpu.memory_space<hbm>>
    tpu.wait_indirect_dma semaphore(%arg13 : memref<!tpu.dma_semaphore, #tpu.memory_space<semaphore_mem>>) src(%dma_wait3A_435 : memref<16001024xf32, #tpu.memory_space<hbm>>) dst(%dma_wait3A_430 : memref<512xf32, #tpu.memory_space<vmem>>)
    %dma_wait3A_436 = arith.constant 21 : i32
    %dma_wait3A_437 = arith.constant 21 : i32
    %dma_wait3A_438 = arith.constant 0 : i32
    %dma_wait3A_439 = tpu.memref_slice %arg12[%dma_wait3A_437, %dma_wait3A_438] : memref<32x512xf32, #tpu.memory_space<vmem>> -> memref<1x512xf32, #tpu.memory_space<vmem>>
    %dma_wait3A_440 = tpu.memref_squeeze %dma_wait3A_439 : memref<1x512xf32, #tpu.memory_space<vmem>> -> memref<512xf32, #tpu.memory_space<vmem>>
    %dma_wait3A_441 = arith.constant 0 : i32
    %dma_wait3A_442 = tpu.memref_slice %arg11[%dma_wait3A_436, %dma_wait3A_441] : memref<32x512xi32, #tpu.memory_space<vmem>> -> memref<1x512xi32, #tpu.memory_space<vmem>>
    %dma_wait3A_443 = tpu.memref_squeeze %dma_wait3A_442 : memref<1x512xi32, #tpu.memory_space<vmem>> -> memref<512xi32, #tpu.memory_space<vmem>>
    %dma_wait3A_444 = arith.constant 0 : i32
    %dma_wait3A_445 = tpu.memref_slice %arg5[%dma_wait3A_444] : memref<16001024xf32, #tpu.memory_space<hbm>> -> memref<16001024xf32, #tpu.memory_space<hbm>>
    tpu.wait_indirect_dma semaphore(%arg13 : memref<!tpu.dma_semaphore, #tpu.memory_space<semaphore_mem>>) src(%dma_wait3A_445 : memref<16001024xf32, #tpu.memory_space<hbm>>) dst(%dma_wait3A_440 : memref<512xf32, #tpu.memory_space<vmem>>)
    %dma_wait3A_446 = arith.constant 6 : i32
    %dma_wait3A_447 = arith.constant 6 : i32
    %dma_wait3A_448 = arith.constant 0 : i32
    %dma_wait3A_449 = tpu.memref_slice %arg12[%dma_wait3A_447, %dma_wait3A_448] : memref<32x512xf32, #tpu.memory_space<vmem>> -> memref<1x512xf32, #tpu.memory_space<vmem>>
    %dma_wait3A_450 = tpu.memref_squeeze %dma_wait3A_449 : memref<1x512xf32, #tpu.memory_space<vmem>> -> memref<512xf32, #tpu.memory_space<vmem>>
    %dma_wait3A_451 = arith.constant 0 : i32
    %dma_wait3A_452 = tpu.memref_slice %arg11[%dma_wait3A_446, %dma_wait3A_451] : memref<32x512xi32, #tpu.memory_space<vmem>> -> memref<1x512xi32, #tpu.memory_space<vmem>>
    %dma_wait3A_453 = tpu.memref_squeeze %dma_wait3A_452 : memref<1x512xi32, #tpu.memory_space<vmem>> -> memref<512xi32, #tpu.memory_space<vmem>>
    %dma_wait3A_454 = arith.constant 0 : i32
    %dma_wait3A_455 = tpu.memref_slice %arg4[%dma_wait3A_454] : memref<16001024xf32, #tpu.memory_space<hbm>> -> memref<16001024xf32, #tpu.memory_space<hbm>>
    tpu.wait_indirect_dma semaphore(%arg13 : memref<!tpu.dma_semaphore, #tpu.memory_space<semaphore_mem>>) src(%dma_wait3A_455 : memref<16001024xf32, #tpu.memory_space<hbm>>) dst(%dma_wait3A_450 : memref<512xf32, #tpu.memory_space<vmem>>)
    %dma_wait3A_456 = arith.constant 22 : i32
    %dma_wait3A_457 = arith.constant 22 : i32
    %dma_wait3A_458 = arith.constant 0 : i32
    %dma_wait3A_459 = tpu.memref_slice %arg12[%dma_wait3A_457, %dma_wait3A_458] : memref<32x512xf32, #tpu.memory_space<vmem>> -> memref<1x512xf32, #tpu.memory_space<vmem>>
    %dma_wait3A_460 = tpu.memref_squeeze %dma_wait3A_459 : memref<1x512xf32, #tpu.memory_space<vmem>> -> memref<512xf32, #tpu.memory_space<vmem>>
    %dma_wait3A_461 = arith.constant 0 : i32
    %dma_wait3A_462 = tpu.memref_slice %arg11[%dma_wait3A_456, %dma_wait3A_461] : memref<32x512xi32, #tpu.memory_space<vmem>> -> memref<1x512xi32, #tpu.memory_space<vmem>>
    %dma_wait3A_463 = tpu.memref_squeeze %dma_wait3A_462 : memref<1x512xi32, #tpu.memory_space<vmem>> -> memref<512xi32, #tpu.memory_space<vmem>>
    %dma_wait3A_464 = arith.constant 0 : i32
    %dma_wait3A_465 = tpu.memref_slice %arg5[%dma_wait3A_464] : memref<16001024xf32, #tpu.memory_space<hbm>> -> memref<16001024xf32, #tpu.memory_space<hbm>>
    tpu.wait_indirect_dma semaphore(%arg13 : memref<!tpu.dma_semaphore, #tpu.memory_space<semaphore_mem>>) src(%dma_wait3A_465 : memref<16001024xf32, #tpu.memory_space<hbm>>) dst(%dma_wait3A_460 : memref<512xf32, #tpu.memory_space<vmem>>)
    %dma_wait3A_466 = arith.constant 7 : i32
    %dma_wait3A_467 = arith.constant 7 : i32
    %dma_wait3A_468 = arith.constant 0 : i32
    %dma_wait3A_469 = tpu.memref_slice %arg12[%dma_wait3A_467, %dma_wait3A_468] : memref<32x512xf32, #tpu.memory_space<vmem>> -> memref<1x512xf32, #tpu.memory_space<vmem>>
    %dma_wait3A_470 = tpu.memref_squeeze %dma_wait3A_469 : memref<1x512xf32, #tpu.memory_space<vmem>> -> memref<512xf32, #tpu.memory_space<vmem>>
    %dma_wait3A_471 = arith.constant 0 : i32
    %dma_wait3A_472 = tpu.memref_slice %arg11[%dma_wait3A_466, %dma_wait3A_471] : memref<32x512xi32, #tpu.memory_space<vmem>> -> memref<1x512xi32, #tpu.memory_space<vmem>>
    %dma_wait3A_473 = tpu.memref_squeeze %dma_wait3A_472 : memref<1x512xi32, #tpu.memory_space<vmem>> -> memref<512xi32, #tpu.memory_space<vmem>>
    %dma_wait3A_474 = arith.constant 0 : i32
    %dma_wait3A_475 = tpu.memref_slice %arg4[%dma_wait3A_474] : memref<16001024xf32, #tpu.memory_space<hbm>> -> memref<16001024xf32, #tpu.memory_space<hbm>>
    tpu.wait_indirect_dma semaphore(%arg13 : memref<!tpu.dma_semaphore, #tpu.memory_space<semaphore_mem>>) src(%dma_wait3A_475 : memref<16001024xf32, #tpu.memory_space<hbm>>) dst(%dma_wait3A_470 : memref<512xf32, #tpu.memory_space<vmem>>)
    %dma_wait3A_476 = arith.constant 23 : i32
    %dma_wait3A_477 = arith.constant 23 : i32
    %dma_wait3A_478 = arith.constant 0 : i32
    %dma_wait3A_479 = tpu.memref_slice %arg12[%dma_wait3A_477, %dma_wait3A_478] : memref<32x512xf32, #tpu.memory_space<vmem>> -> memref<1x512xf32, #tpu.memory_space<vmem>>
    %dma_wait3A_480 = tpu.memref_squeeze %dma_wait3A_479 : memref<1x512xf32, #tpu.memory_space<vmem>> -> memref<512xf32, #tpu.memory_space<vmem>>
    %dma_wait3A_481 = arith.constant 0 : i32
    %dma_wait3A_482 = tpu.memref_slice %arg11[%dma_wait3A_476, %dma_wait3A_481] : memref<32x512xi32, #tpu.memory_space<vmem>> -> memref<1x512xi32, #tpu.memory_space<vmem>>
    %dma_wait3A_483 = tpu.memref_squeeze %dma_wait3A_482 : memref<1x512xi32, #tpu.memory_space<vmem>> -> memref<512xi32, #tpu.memory_space<vmem>>
    %dma_wait3A_484 = arith.constant 0 : i32
    %dma_wait3A_485 = tpu.memref_slice %arg5[%dma_wait3A_484] : memref<16001024xf32, #tpu.memory_space<hbm>> -> memref<16001024xf32, #tpu.memory_space<hbm>>
    tpu.wait_indirect_dma semaphore(%arg13 : memref<!tpu.dma_semaphore, #tpu.memory_space<semaphore_mem>>) src(%dma_wait3A_485 : memref<16001024xf32, #tpu.memory_space<hbm>>) dst(%dma_wait3A_480 : memref<512xf32, #tpu.memory_space<vmem>>)
    %dma_wait3A_486 = arith.constant 8 : i32
    %dma_wait3A_487 = arith.constant 8 : i32
    %dma_wait3A_488 = arith.constant 0 : i32
    %dma_wait3A_489 = tpu.memref_slice %arg12[%dma_wait3A_487, %dma_wait3A_488] : memref<32x512xf32, #tpu.memory_space<vmem>> -> memref<1x512xf32, #tpu.memory_space<vmem>>
    %dma_wait3A_490 = tpu.memref_squeeze %dma_wait3A_489 : memref<1x512xf32, #tpu.memory_space<vmem>> -> memref<512xf32, #tpu.memory_space<vmem>>
    %dma_wait3A_491 = arith.constant 0 : i32
    %dma_wait3A_492 = tpu.memref_slice %arg11[%dma_wait3A_486, %dma_wait3A_491] : memref<32x512xi32, #tpu.memory_space<vmem>> -> memref<1x512xi32, #tpu.memory_space<vmem>>
    %dma_wait3A_493 = tpu.memref_squeeze %dma_wait3A_492 : memref<1x512xi32, #tpu.memory_space<vmem>> -> memref<512xi32, #tpu.memory_space<vmem>>
    %dma_wait3A_494 = arith.constant 0 : i32
    %dma_wait3A_495 = tpu.memref_slice %arg4[%dma_wait3A_494] : memref<16001024xf32, #tpu.memory_space<hbm>> -> memref<16001024xf32, #tpu.memory_space<hbm>>
    tpu.wait_indirect_dma semaphore(%arg13 : memref<!tpu.dma_semaphore, #tpu.memory_space<semaphore_mem>>) src(%dma_wait3A_495 : memref<16001024xf32, #tpu.memory_space<hbm>>) dst(%dma_wait3A_490 : memref<512xf32, #tpu.memory_space<vmem>>)
    %dma_wait3A_496 = arith.constant 24 : i32
    %dma_wait3A_497 = arith.constant 24 : i32
    %dma_wait3A_498 = arith.constant 0 : i32
    %dma_wait3A_499 = tpu.memref_slice %arg12[%dma_wait3A_497, %dma_wait3A_498] : memref<32x512xf32, #tpu.memory_space<vmem>> -> memref<1x512xf32, #tpu.memory_space<vmem>>
    %dma_wait3A_500 = tpu.memref_squeeze %dma_wait3A_499 : memref<1x512xf32, #tpu.memory_space<vmem>> -> memref<512xf32, #tpu.memory_space<vmem>>
    %dma_wait3A_501 = arith.constant 0 : i32
    %dma_wait3A_502 = tpu.memref_slice %arg11[%dma_wait3A_496, %dma_wait3A_501] : memref<32x512xi32, #tpu.memory_space<vmem>> -> memref<1x512xi32, #tpu.memory_space<vmem>>
    %dma_wait3A_503 = tpu.memref_squeeze %dma_wait3A_502 : memref<1x512xi32, #tpu.memory_space<vmem>> -> memref<512xi32, #tpu.memory_space<vmem>>
    %dma_wait3A_504 = arith.constant 0 : i32
    %dma_wait3A_505 = tpu.memref_slice %arg5[%dma_wait3A_504] : memref<16001024xf32, #tpu.memory_space<hbm>> -> memref<16001024xf32, #tpu.memory_space<hbm>>
    tpu.wait_indirect_dma semaphore(%arg13 : memref<!tpu.dma_semaphore, #tpu.memory_space<semaphore_mem>>) src(%dma_wait3A_505 : memref<16001024xf32, #tpu.memory_space<hbm>>) dst(%dma_wait3A_500 : memref<512xf32, #tpu.memory_space<vmem>>)
    %dma_wait3A_506 = arith.constant 9 : i32
    %dma_wait3A_507 = arith.constant 9 : i32
    %dma_wait3A_508 = arith.constant 0 : i32
    %dma_wait3A_509 = tpu.memref_slice %arg12[%dma_wait3A_507, %dma_wait3A_508] : memref<32x512xf32, #tpu.memory_space<vmem>> -> memref<1x512xf32, #tpu.memory_space<vmem>>
    %dma_wait3A_510 = tpu.memref_squeeze %dma_wait3A_509 : memref<1x512xf32, #tpu.memory_space<vmem>> -> memref<512xf32, #tpu.memory_space<vmem>>
    %dma_wait3A_511 = arith.constant 0 : i32
    %dma_wait3A_512 = tpu.memref_slice %arg11[%dma_wait3A_506, %dma_wait3A_511] : memref<32x512xi32, #tpu.memory_space<vmem>> -> memref<1x512xi32, #tpu.memory_space<vmem>>
    %dma_wait3A_513 = tpu.memref_squeeze %dma_wait3A_512 : memref<1x512xi32, #tpu.memory_space<vmem>> -> memref<512xi32, #tpu.memory_space<vmem>>
    %dma_wait3A_514 = arith.constant 0 : i32
    %dma_wait3A_515 = tpu.memref_slice %arg4[%dma_wait3A_514] : memref<16001024xf32, #tpu.memory_space<hbm>> -> memref<16001024xf32, #tpu.memory_space<hbm>>
    tpu.wait_indirect_dma semaphore(%arg13 : memref<!tpu.dma_semaphore, #tpu.memory_space<semaphore_mem>>) src(%dma_wait3A_515 : memref<16001024xf32, #tpu.memory_space<hbm>>) dst(%dma_wait3A_510 : memref<512xf32, #tpu.memory_space<vmem>>)
    %dma_wait3A_516 = arith.constant 25 : i32
    %dma_wait3A_517 = arith.constant 25 : i32
    %dma_wait3A_518 = arith.constant 0 : i32
    %dma_wait3A_519 = tpu.memref_slice %arg12[%dma_wait3A_517, %dma_wait3A_518] : memref<32x512xf32, #tpu.memory_space<vmem>> -> memref<1x512xf32, #tpu.memory_space<vmem>>
    %dma_wait3A_520 = tpu.memref_squeeze %dma_wait3A_519 : memref<1x512xf32, #tpu.memory_space<vmem>> -> memref<512xf32, #tpu.memory_space<vmem>>
    %dma_wait3A_521 = arith.constant 0 : i32
    %dma_wait3A_522 = tpu.memref_slice %arg11[%dma_wait3A_516, %dma_wait3A_521] : memref<32x512xi32, #tpu.memory_space<vmem>> -> memref<1x512xi32, #tpu.memory_space<vmem>>
    %dma_wait3A_523 = tpu.memref_squeeze %dma_wait3A_522 : memref<1x512xi32, #tpu.memory_space<vmem>> -> memref<512xi32, #tpu.memory_space<vmem>>
    %dma_wait3A_524 = arith.constant 0 : i32
    %dma_wait3A_525 = tpu.memref_slice %arg5[%dma_wait3A_524] : memref<16001024xf32, #tpu.memory_space<hbm>> -> memref<16001024xf32, #tpu.memory_space<hbm>>
    tpu.wait_indirect_dma semaphore(%arg13 : memref<!tpu.dma_semaphore, #tpu.memory_space<semaphore_mem>>) src(%dma_wait3A_525 : memref<16001024xf32, #tpu.memory_space<hbm>>) dst(%dma_wait3A_520 : memref<512xf32, #tpu.memory_space<vmem>>)
    %dma_wait3A_526 = arith.constant 10 : i32
    %dma_wait3A_527 = arith.constant 10 : i32
    %dma_wait3A_528 = arith.constant 0 : i32
    %dma_wait3A_529 = tpu.memref_slice %arg12[%dma_wait3A_527, %dma_wait3A_528] : memref<32x512xf32, #tpu.memory_space<vmem>> -> memref<1x512xf32, #tpu.memory_space<vmem>>
    %dma_wait3A_530 = tpu.memref_squeeze %dma_wait3A_529 : memref<1x512xf32, #tpu.memory_space<vmem>> -> memref<512xf32, #tpu.memory_space<vmem>>
    %dma_wait3A_531 = arith.constant 0 : i32
    %dma_wait3A_532 = tpu.memref_slice %arg11[%dma_wait3A_526, %dma_wait3A_531] : memref<32x512xi32, #tpu.memory_space<vmem>> -> memref<1x512xi32, #tpu.memory_space<vmem>>
    %dma_wait3A_533 = tpu.memref_squeeze %dma_wait3A_532 : memref<1x512xi32, #tpu.memory_space<vmem>> -> memref<512xi32, #tpu.memory_space<vmem>>
    %dma_wait3A_534 = arith.constant 0 : i32
    %dma_wait3A_535 = tpu.memref_slice %arg4[%dma_wait3A_534] : memref<16001024xf32, #tpu.memory_space<hbm>> -> memref<16001024xf32, #tpu.memory_space<hbm>>
    tpu.wait_indirect_dma semaphore(%arg13 : memref<!tpu.dma_semaphore, #tpu.memory_space<semaphore_mem>>) src(%dma_wait3A_535 : memref<16001024xf32, #tpu.memory_space<hbm>>) dst(%dma_wait3A_530 : memref<512xf32, #tpu.memory_space<vmem>>)
    %dma_wait3A_536 = arith.constant 26 : i32
    %dma_wait3A_537 = arith.constant 26 : i32
    %dma_wait3A_538 = arith.constant 0 : i32
    %dma_wait3A_539 = tpu.memref_slice %arg12[%dma_wait3A_537, %dma_wait3A_538] : memref<32x512xf32, #tpu.memory_space<vmem>> -> memref<1x512xf32, #tpu.memory_space<vmem>>
    %dma_wait3A_540 = tpu.memref_squeeze %dma_wait3A_539 : memref<1x512xf32, #tpu.memory_space<vmem>> -> memref<512xf32, #tpu.memory_space<vmem>>
    %dma_wait3A_541 = arith.constant 0 : i32
    %dma_wait3A_542 = tpu.memref_slice %arg11[%dma_wait3A_536, %dma_wait3A_541] : memref<32x512xi32, #tpu.memory_space<vmem>> -> memref<1x512xi32, #tpu.memory_space<vmem>>
    %dma_wait3A_543 = tpu.memref_squeeze %dma_wait3A_542 : memref<1x512xi32, #tpu.memory_space<vmem>> -> memref<512xi32, #tpu.memory_space<vmem>>
    %dma_wait3A_544 = arith.constant 0 : i32
    %dma_wait3A_545 = tpu.memref_slice %arg5[%dma_wait3A_544] : memref<16001024xf32, #tpu.memory_space<hbm>> -> memref<16001024xf32, #tpu.memory_space<hbm>>
    tpu.wait_indirect_dma semaphore(%arg13 : memref<!tpu.dma_semaphore, #tpu.memory_space<semaphore_mem>>) src(%dma_wait3A_545 : memref<16001024xf32, #tpu.memory_space<hbm>>) dst(%dma_wait3A_540 : memref<512xf32, #tpu.memory_space<vmem>>)
    %dma_wait3A_546 = arith.constant 11 : i32
    %dma_wait3A_547 = arith.constant 11 : i32
    %dma_wait3A_548 = arith.constant 0 : i32
    %dma_wait3A_549 = tpu.memref_slice %arg12[%dma_wait3A_547, %dma_wait3A_548] : memref<32x512xf32, #tpu.memory_space<vmem>> -> memref<1x512xf32, #tpu.memory_space<vmem>>
    %dma_wait3A_550 = tpu.memref_squeeze %dma_wait3A_549 : memref<1x512xf32, #tpu.memory_space<vmem>> -> memref<512xf32, #tpu.memory_space<vmem>>
    %dma_wait3A_551 = arith.constant 0 : i32
    %dma_wait3A_552 = tpu.memref_slice %arg11[%dma_wait3A_546, %dma_wait3A_551] : memref<32x512xi32, #tpu.memory_space<vmem>> -> memref<1x512xi32, #tpu.memory_space<vmem>>
    %dma_wait3A_553 = tpu.memref_squeeze %dma_wait3A_552 : memref<1x512xi32, #tpu.memory_space<vmem>> -> memref<512xi32, #tpu.memory_space<vmem>>
    %dma_wait3A_554 = arith.constant 0 : i32
    %dma_wait3A_555 = tpu.memref_slice %arg4[%dma_wait3A_554] : memref<16001024xf32, #tpu.memory_space<hbm>> -> memref<16001024xf32, #tpu.memory_space<hbm>>
    tpu.wait_indirect_dma semaphore(%arg13 : memref<!tpu.dma_semaphore, #tpu.memory_space<semaphore_mem>>) src(%dma_wait3A_555 : memref<16001024xf32, #tpu.memory_space<hbm>>) dst(%dma_wait3A_550 : memref<512xf32, #tpu.memory_space<vmem>>)
    %dma_wait3A_556 = arith.constant 27 : i32
    %dma_wait3A_557 = arith.constant 27 : i32
    %dma_wait3A_558 = arith.constant 0 : i32
    %dma_wait3A_559 = tpu.memref_slice %arg12[%dma_wait3A_557, %dma_wait3A_558] : memref<32x512xf32, #tpu.memory_space<vmem>> -> memref<1x512xf32, #tpu.memory_space<vmem>>
    %dma_wait3A_560 = tpu.memref_squeeze %dma_wait3A_559 : memref<1x512xf32, #tpu.memory_space<vmem>> -> memref<512xf32, #tpu.memory_space<vmem>>
    %dma_wait3A_561 = arith.constant 0 : i32
    %dma_wait3A_562 = tpu.memref_slice %arg11[%dma_wait3A_556, %dma_wait3A_561] : memref<32x512xi32, #tpu.memory_space<vmem>> -> memref<1x512xi32, #tpu.memory_space<vmem>>
    %dma_wait3A_563 = tpu.memref_squeeze %dma_wait3A_562 : memref<1x512xi32, #tpu.memory_space<vmem>> -> memref<512xi32, #tpu.memory_space<vmem>>
    %dma_wait3A_564 = arith.constant 0 : i32
    %dma_wait3A_565 = tpu.memref_slice %arg5[%dma_wait3A_564] : memref<16001024xf32, #tpu.memory_space<hbm>> -> memref<16001024xf32, #tpu.memory_space<hbm>>
    tpu.wait_indirect_dma semaphore(%arg13 : memref<!tpu.dma_semaphore, #tpu.memory_space<semaphore_mem>>) src(%dma_wait3A_565 : memref<16001024xf32, #tpu.memory_space<hbm>>) dst(%dma_wait3A_560 : memref<512xf32, #tpu.memory_space<vmem>>)
    %dma_wait3A_566 = arith.constant 12 : i32
    %dma_wait3A_567 = arith.constant 12 : i32
    %dma_wait3A_568 = arith.constant 0 : i32
    %dma_wait3A_569 = tpu.memref_slice %arg12[%dma_wait3A_567, %dma_wait3A_568] : memref<32x512xf32, #tpu.memory_space<vmem>> -> memref<1x512xf32, #tpu.memory_space<vmem>>
    %dma_wait3A_570 = tpu.memref_squeeze %dma_wait3A_569 : memref<1x512xf32, #tpu.memory_space<vmem>> -> memref<512xf32, #tpu.memory_space<vmem>>
    %dma_wait3A_571 = arith.constant 0 : i32
    %dma_wait3A_572 = tpu.memref_slice %arg11[%dma_wait3A_566, %dma_wait3A_571] : memref<32x512xi32, #tpu.memory_space<vmem>> -> memref<1x512xi32, #tpu.memory_space<vmem>>
    %dma_wait3A_573 = tpu.memref_squeeze %dma_wait3A_572 : memref<1x512xi32, #tpu.memory_space<vmem>> -> memref<512xi32, #tpu.memory_space<vmem>>
    %dma_wait3A_574 = arith.constant 0 : i32
    %dma_wait3A_575 = tpu.memref_slice %arg4[%dma_wait3A_574] : memref<16001024xf32, #tpu.memory_space<hbm>> -> memref<16001024xf32, #tpu.memory_space<hbm>>
    tpu.wait_indirect_dma semaphore(%arg13 : memref<!tpu.dma_semaphore, #tpu.memory_space<semaphore_mem>>) src(%dma_wait3A_575 : memref<16001024xf32, #tpu.memory_space<hbm>>) dst(%dma_wait3A_570 : memref<512xf32, #tpu.memory_space<vmem>>)
    %dma_wait3A_576 = arith.constant 28 : i32
    %dma_wait3A_577 = arith.constant 28 : i32
    %dma_wait3A_578 = arith.constant 0 : i32
    %dma_wait3A_579 = tpu.memref_slice %arg12[%dma_wait3A_577, %dma_wait3A_578] : memref<32x512xf32, #tpu.memory_space<vmem>> -> memref<1x512xf32, #tpu.memory_space<vmem>>
    %dma_wait3A_580 = tpu.memref_squeeze %dma_wait3A_579 : memref<1x512xf32, #tpu.memory_space<vmem>> -> memref<512xf32, #tpu.memory_space<vmem>>
    %dma_wait3A_581 = arith.constant 0 : i32
    %dma_wait3A_582 = tpu.memref_slice %arg11[%dma_wait3A_576, %dma_wait3A_581] : memref<32x512xi32, #tpu.memory_space<vmem>> -> memref<1x512xi32, #tpu.memory_space<vmem>>
    %dma_wait3A_583 = tpu.memref_squeeze %dma_wait3A_582 : memref<1x512xi32, #tpu.memory_space<vmem>> -> memref<512xi32, #tpu.memory_space<vmem>>
    %dma_wait3A_584 = arith.constant 0 : i32
    %dma_wait3A_585 = tpu.memref_slice %arg5[%dma_wait3A_584] : memref<16001024xf32, #tpu.memory_space<hbm>> -> memref<16001024xf32, #tpu.memory_space<hbm>>
    tpu.wait_indirect_dma semaphore(%arg13 : memref<!tpu.dma_semaphore, #tpu.memory_space<semaphore_mem>>) src(%dma_wait3A_585 : memref<16001024xf32, #tpu.memory_space<hbm>>) dst(%dma_wait3A_580 : memref<512xf32, #tpu.memory_space<vmem>>)
    %dma_wait3A_586 = arith.constant 13 : i32
    %dma_wait3A_587 = arith.constant 13 : i32
    %dma_wait3A_588 = arith.constant 0 : i32
    %dma_wait3A_589 = tpu.memref_slice %arg12[%dma_wait3A_587, %dma_wait3A_588] : memref<32x512xf32, #tpu.memory_space<vmem>> -> memref<1x512xf32, #tpu.memory_space<vmem>>
    %dma_wait3A_590 = tpu.memref_squeeze %dma_wait3A_589 : memref<1x512xf32, #tpu.memory_space<vmem>> -> memref<512xf32, #tpu.memory_space<vmem>>
    %dma_wait3A_591 = arith.constant 0 : i32
    %dma_wait3A_592 = tpu.memref_slice %arg11[%dma_wait3A_586, %dma_wait3A_591] : memref<32x512xi32, #tpu.memory_space<vmem>> -> memref<1x512xi32, #tpu.memory_space<vmem>>
    %dma_wait3A_593 = tpu.memref_squeeze %dma_wait3A_592 : memref<1x512xi32, #tpu.memory_space<vmem>> -> memref<512xi32, #tpu.memory_space<vmem>>
    %dma_wait3A_594 = arith.constant 0 : i32
    %dma_wait3A_595 = tpu.memref_slice %arg4[%dma_wait3A_594] : memref<16001024xf32, #tpu.memory_space<hbm>> -> memref<16001024xf32, #tpu.memory_space<hbm>>
    tpu.wait_indirect_dma semaphore(%arg13 : memref<!tpu.dma_semaphore, #tpu.memory_space<semaphore_mem>>) src(%dma_wait3A_595 : memref<16001024xf32, #tpu.memory_space<hbm>>) dst(%dma_wait3A_590 : memref<512xf32, #tpu.memory_space<vmem>>)
    %dma_wait3A_596 = arith.constant 29 : i32
    %dma_wait3A_597 = arith.constant 29 : i32
    %dma_wait3A_598 = arith.constant 0 : i32
    %dma_wait3A_599 = tpu.memref_slice %arg12[%dma_wait3A_597, %dma_wait3A_598] : memref<32x512xf32, #tpu.memory_space<vmem>> -> memref<1x512xf32, #tpu.memory_space<vmem>>
    %dma_wait3A_600 = tpu.memref_squeeze %dma_wait3A_599 : memref<1x512xf32, #tpu.memory_space<vmem>> -> memref<512xf32, #tpu.memory_space<vmem>>
    %dma_wait3A_601 = arith.constant 0 : i32
    %dma_wait3A_602 = tpu.memref_slice %arg11[%dma_wait3A_596, %dma_wait3A_601] : memref<32x512xi32, #tpu.memory_space<vmem>> -> memref<1x512xi32, #tpu.memory_space<vmem>>
    %dma_wait3A_603 = tpu.memref_squeeze %dma_wait3A_602 : memref<1x512xi32, #tpu.memory_space<vmem>> -> memref<512xi32, #tpu.memory_space<vmem>>
    %dma_wait3A_604 = arith.constant 0 : i32
    %dma_wait3A_605 = tpu.memref_slice %arg5[%dma_wait3A_604] : memref<16001024xf32, #tpu.memory_space<hbm>> -> memref<16001024xf32, #tpu.memory_space<hbm>>
    tpu.wait_indirect_dma semaphore(%arg13 : memref<!tpu.dma_semaphore, #tpu.memory_space<semaphore_mem>>) src(%dma_wait3A_605 : memref<16001024xf32, #tpu.memory_space<hbm>>) dst(%dma_wait3A_600 : memref<512xf32, #tpu.memory_space<vmem>>)
    %dma_wait3A_606 = arith.constant 14 : i32
    %dma_wait3A_607 = arith.constant 14 : i32
    %dma_wait3A_608 = arith.constant 0 : i32
    %dma_wait3A_609 = tpu.memref_slice %arg12[%dma_wait3A_607, %dma_wait3A_608] : memref<32x512xf32, #tpu.memory_space<vmem>> -> memref<1x512xf32, #tpu.memory_space<vmem>>
    %dma_wait3A_610 = tpu.memref_squeeze %dma_wait3A_609 : memref<1x512xf32, #tpu.memory_space<vmem>> -> memref<512xf32, #tpu.memory_space<vmem>>
    %dma_wait3A_611 = arith.constant 0 : i32
    %dma_wait3A_612 = tpu.memref_slice %arg11[%dma_wait3A_606, %dma_wait3A_611] : memref<32x512xi32, #tpu.memory_space<vmem>> -> memref<1x512xi32, #tpu.memory_space<vmem>>
    %dma_wait3A_613 = tpu.memref_squeeze %dma_wait3A_612 : memref<1x512xi32, #tpu.memory_space<vmem>> -> memref<512xi32, #tpu.memory_space<vmem>>
    %dma_wait3A_614 = arith.constant 0 : i32
    %dma_wait3A_615 = tpu.memref_slice %arg4[%dma_wait3A_614] : memref<16001024xf32, #tpu.memory_space<hbm>> -> memref<16001024xf32, #tpu.memory_space<hbm>>
    tpu.wait_indirect_dma semaphore(%arg13 : memref<!tpu.dma_semaphore, #tpu.memory_space<semaphore_mem>>) src(%dma_wait3A_615 : memref<16001024xf32, #tpu.memory_space<hbm>>) dst(%dma_wait3A_610 : memref<512xf32, #tpu.memory_space<vmem>>)
    %dma_wait3A_616 = arith.constant 30 : i32
    %dma_wait3A_617 = arith.constant 30 : i32
    %dma_wait3A_618 = arith.constant 0 : i32
    %dma_wait3A_619 = tpu.memref_slice %arg12[%dma_wait3A_617, %dma_wait3A_618] : memref<32x512xf32, #tpu.memory_space<vmem>> -> memref<1x512xf32, #tpu.memory_space<vmem>>
    %dma_wait3A_620 = tpu.memref_squeeze %dma_wait3A_619 : memref<1x512xf32, #tpu.memory_space<vmem>> -> memref<512xf32, #tpu.memory_space<vmem>>
    %dma_wait3A_621 = arith.constant 0 : i32
    %dma_wait3A_622 = tpu.memref_slice %arg11[%dma_wait3A_616, %dma_wait3A_621] : memref<32x512xi32, #tpu.memory_space<vmem>> -> memref<1x512xi32, #tpu.memory_space<vmem>>
    %dma_wait3A_623 = tpu.memref_squeeze %dma_wait3A_622 : memref<1x512xi32, #tpu.memory_space<vmem>> -> memref<512xi32, #tpu.memory_space<vmem>>
    %dma_wait3A_624 = arith.constant 0 : i32
    %dma_wait3A_625 = tpu.memref_slice %arg5[%dma_wait3A_624] : memref<16001024xf32, #tpu.memory_space<hbm>> -> memref<16001024xf32, #tpu.memory_space<hbm>>
    tpu.wait_indirect_dma semaphore(%arg13 : memref<!tpu.dma_semaphore, #tpu.memory_space<semaphore_mem>>) src(%dma_wait3A_625 : memref<16001024xf32, #tpu.memory_space<hbm>>) dst(%dma_wait3A_620 : memref<512xf32, #tpu.memory_space<vmem>>)
    %dma_wait3A_626 = arith.constant 15 : i32
    %dma_wait3A_627 = arith.constant 15 : i32
    %dma_wait3A_628 = arith.constant 0 : i32
    %dma_wait3A_629 = tpu.memref_slice %arg12[%dma_wait3A_627, %dma_wait3A_628] : memref<32x512xf32, #tpu.memory_space<vmem>> -> memref<1x512xf32, #tpu.memory_space<vmem>>
    %dma_wait3A_630 = tpu.memref_squeeze %dma_wait3A_629 : memref<1x512xf32, #tpu.memory_space<vmem>> -> memref<512xf32, #tpu.memory_space<vmem>>
    %dma_wait3A_631 = arith.constant 0 : i32
    %dma_wait3A_632 = tpu.memref_slice %arg11[%dma_wait3A_626, %dma_wait3A_631] : memref<32x512xi32, #tpu.memory_space<vmem>> -> memref<1x512xi32, #tpu.memory_space<vmem>>
    %dma_wait3A_633 = tpu.memref_squeeze %dma_wait3A_632 : memref<1x512xi32, #tpu.memory_space<vmem>> -> memref<512xi32, #tpu.memory_space<vmem>>
    %dma_wait3A_634 = arith.constant 0 : i32
    %dma_wait3A_635 = tpu.memref_slice %arg4[%dma_wait3A_634] : memref<16001024xf32, #tpu.memory_space<hbm>> -> memref<16001024xf32, #tpu.memory_space<hbm>>
    tpu.wait_indirect_dma semaphore(%arg13 : memref<!tpu.dma_semaphore, #tpu.memory_space<semaphore_mem>>) src(%dma_wait3A_635 : memref<16001024xf32, #tpu.memory_space<hbm>>) dst(%dma_wait3A_630 : memref<512xf32, #tpu.memory_space<vmem>>)
    %dma_wait3A_636 = arith.constant 31 : i32
    %dma_wait3A_637 = arith.constant 31 : i32
    %dma_wait3A_638 = arith.constant 0 : i32
    %dma_wait3A_639 = tpu.memref_slice %arg12[%dma_wait3A_637, %dma_wait3A_638] : memref<32x512xf32, #tpu.memory_space<vmem>> -> memref<1x512xf32, #tpu.memory_space<vmem>>
    %dma_wait3A_640 = tpu.memref_squeeze %dma_wait3A_639 : memref<1x512xf32, #tpu.memory_space<vmem>> -> memref<512xf32, #tpu.memory_space<vmem>>
    %dma_wait3A_641 = arith.constant 0 : i32
    %dma_wait3A_642 = tpu.memref_slice %arg11[%dma_wait3A_636, %dma_wait3A_641] : memref<32x512xi32, #tpu.memory_space<vmem>> -> memref<1x512xi32, #tpu.memory_space<vmem>>
    %dma_wait3A_643 = tpu.memref_squeeze %dma_wait3A_642 : memref<1x512xi32, #tpu.memory_space<vmem>> -> memref<512xi32, #tpu.memory_space<vmem>>
    %dma_wait3A_644 = arith.constant 0 : i32
    %dma_wait3A_645 = tpu.memref_slice %arg5[%dma_wait3A_644] : memref<16001024xf32, #tpu.memory_space<hbm>> -> memref<16001024xf32, #tpu.memory_space<hbm>>
    tpu.wait_indirect_dma semaphore(%arg13 : memref<!tpu.dma_semaphore, #tpu.memory_space<semaphore_mem>>) src(%dma_wait3A_645 : memref<16001024xf32, #tpu.memory_space<hbm>>) dst(%dma_wait3A_640 : memref<512xf32, #tpu.memory_space<vmem>>)
    "tpu.region"() ({
      %run_scoped3A = tpu.sem_alloc : memref<!tpu.dma_semaphore, #tpu.memory_space<semaphore_mem>>
      %dma_start3A_646 = arith.constant 0 : i32
      %dma_start3A_647 = tpu.memref_slice %arg6[%dma_start3A_646, %mul3A_2] : memref<32x16384xf32, #tpu.memory_space<hbm>> -> memref<32x512xf32, #tpu.memory_space<hbm>>
      %dma_start3A_648 = arith.constant 0 : i32
      %dma_start3A_649 = tpu.memref_slice %arg6[%dma_start3A_648, %mul3A_2] : memref<32x16384xf32, #tpu.memory_space<hbm>> -> memref<32x512xf32, #tpu.memory_space<hbm>>
      tpu.enqueue_dma source(%arg12 : memref<32x512xf32, #tpu.memory_space<vmem>>) target(%dma_start3A_649 : memref<32x512xf32, #tpu.memory_space<hbm>>) target_semaphore(%run_scoped3A : memref<!tpu.dma_semaphore, #tpu.memory_space<semaphore_mem>>)
      %dma_wait3A_650 = arith.constant 0 : i32
      %dma_wait3A_651 = tpu.memref_slice %arg6[%dma_wait3A_650, %mul3A_2] : memref<32x16384xf32, #tpu.memory_space<hbm>> -> memref<32x512xf32, #tpu.memory_space<hbm>>
      %dma_wait3A_652 = arith.constant 0 : i32
      %dma_wait3A_653 = tpu.memref_slice %arg6[%dma_wait3A_652, %mul3A_2] : memref<32x16384xf32, #tpu.memory_space<hbm>> -> memref<32x512xf32, #tpu.memory_space<hbm>>
      tpu.wait_dma2 semaphore(%run_scoped3A : memref<!tpu.dma_semaphore, #tpu.memory_space<semaphore_mem>>) src(%arg12 : memref<32x512xf32, #tpu.memory_space<vmem>>) dst(%dma_wait3A_653 : memref<32x512xf32, #tpu.memory_space<hbm>>)
      tpu.yield
    }) : () -> ()
    return
  }
}

</mosaic_0001>

<sc_bundles>
// kernel: _sc_gather.3.cloned.1.call-start
scs
__scs_entry_jumppad:
0x0: {  	(pc) =	sbr.rel $0x88, $3  }
0x1: {  	(tag) =	ssettag $0x0;
	lr =	simm.s32 $0x1  }
0x2: {  	[smem:$0x3F9D] =	sst lr;
	_ =	strace $0xD0000000  }
0x3: {  	_ = 	snop  }
0x4: {  	_ = 	snop  }
0x5: {  	_ = 	snop  }
0x6: {  	_ = 	snop  }
0x7: {  	_ = 	snop  }
__scs_overlays_trampoline_lowered:
0x8: {  	[smem:$0x3FAC] =	sst s0  }
0x9: {  	[smem:$0x3FAD] =	sst s1  }
0xa: {  	[smem:$0x3FAE] =	sst s2  }
0xb: {  	[smem:$0x3FAF] =	sst s3  }
0xc: {  	[smem:$0x3FB0] =	sst s4  }
0xd: {  	[smem:$0x3FB1] =	sst s5  }
0xe: {  	[smem:$0x3FB2] =	sst s6  }
0xf: {  	[smem:$0x3FB3] =	sst s7  }
0x10: {  	[smem:$0x3FB4] =	sst s8  }
0x11: {  	[smem:$0x3FB5] =	sst s9;
	s0 =	simm.s32 @!p0 $0x0  }
0x12: {  	s1 =	sld [smem:$0x3F9B];
	s0 =	simm.s32 @p0 $0x1  }
0x13: {  	[smem:$0x3FB6] =	sst s0;
	s0 =	simm.s32 @!p1 $0x0  }
0x14: {  	s2 =	sld [smem:$0x3F9A];
	s0 =	simm.s32 @p1 $0x1  }
0x15: {  	[smem:$0x3FB7] =	sst s0;
	s0 =	simm.s32 @!p2 $0x0  }
0x16: {  	s3 =	sld [smem:$0x3FDB];
	s0 =	simm.s32 @p2 $0x1  }
0x17: {  	s4 =	simm.s32 $0x1BF5;
	[smem:$0x3FB9] =	sst s0  }
0x18: {  	s0 =	sld [smem:$0x3F9C];
	_ =	swait.ge [sflag:s4], $0x0  }
0x19: {  	s7 =	sld [smem:$0x3F9D]  }
0x1a: {  	s8 =	sadd.s32 $0xFFFFE003, lr  }
0x1b: {  	s9 =	sadd.s32 $0xFFFFFEF7, lr;
	s5 =	simm.s32 $0xFFFFFFFF;
	p2 =	slt.u32 s8, $0xFFFFF086  }
0x1c: {  	p1 =	slt.u32 s9, $0xF7A;
	s5 =	simm.s32 @!p2 $0x0  }
0x1d: {  	s5 =	simm.s32 @p1 $0x1;
	p0 =	seq.s32 s7, s2  }
0x1e: {  	s7 =	smul.u32 @!p0 $0xF7A, s2;
	p2 =	seq.s32 @!p0 s5, $0x0  }
0x1f: {  	s9 =	smul.u32 $0xF7A, s1;
	s8 =	simm.s32 @!p0 $0x1BF5;
	p2 =	por !p2, p0  }
0x20: {  	[sflag:s8] =	ssyncset.s32 @!p0 $0xFFFFF086;
	s6 =	sadd.s32 @!p0 s3, s7;
	s7 =	simm.s32 @!p0 $0x108  }
0x21: {  	s3 =	sadd.s32 s3, s9;
	s6 =	sadd.s32 @!p0 $0x88, s6;
	s7 =	simm.s32 @p2 $0x1082  }
0x22: {  	[simem:s7], [sflag:s8] =	dma.local @!p0 [hbm:s6], $0xF7A  }
0x23: {  	s9 =	sor.u32 $0xD0000000, s2;
	s6 =	simm.s32 $0x108;
	_ =	swait.ge @!p0 [sflag:s8], $0x0  }
0x24: {  	s3 =	sadd.s32 $0x88, s3;
	s6 =	simm.s32 @!p1 $0x1082;
	[sflag:s4] =	ssyncset.s32 $0xFFFFF086  }
0x25: {  	[simem:s6], [sflag:s4] =	dma.local [hbm:s3], $0xF7A  }
0x26: {  	[smem:$0x3F9D] =	sst s1;
	(tag) =	ssettag s2;
	_ =	strace s9  }
0x27: {  	s1 =	sld [smem:$0x3FAD]  }
0x28: {  	s2 =	sld [smem:$0x3FAE]  }
0x29: {  	s4 =	sld [smem:$0x3FB0]  }
0x2a: {  	p0 =	seq.s32 s5, $0x0;
	s5 =	sld [smem:$0x3FB1]  }
0x2b: {  	s6 =	sld [smem:$0x3FB2]  }
0x2c: {  	s7 =	sld [smem:$0x3FB3]  }
0x2d: {  	s3 =	simm.s32 $0x108;
	s8 =	sld [smem:$0x3FB4]  }
0x2e: {  	s3 =	simm.s32 @!p0 $0x1082;
	s9 =	sld [smem:$0x3FB5]  }
0x2f: {  	lr =	sadd.s32 s0, s3;
	s0 =	sld [smem:$0x3FAC]  }
0x30: {  	s3 =	sld [smem:$0x3FAF]  }
0x31: {  	[smem:$0x3FB8] =	sst s10  }
0x32: {  	s10 =	sld [smem:$0x3FB6];
	_ =	sdelay $0x3  }
0x33: {  	p0 =	seq.s32 s10, $0x1;
	s10 =	sld [smem:$0x3FB8];
	_ =	sdelay $0x3  }
0x34: {  	[smem:$0x3FB8] =	sst s10  }
0x35: {  	s10 =	sld [smem:$0x3FB7];
	_ =	sdelay $0x3  }
0x36: {  	p1 =	seq.s32 s10, $0x1;
	s10 =	sld [smem:$0x3FB8];
	_ =	sdelay $0x3  }
0x37: {  	[smem:$0x3FB8] =	sst s10  }
0x38: {  	s10 =	sld [smem:$0x3FB9]  }
0x39: {  	_ = 	snop;
	(pc) =	sbr.ind lr, $3  }
0x3a: {  	_ = 	snop  }
0x3b: {  	_ = 	snop  }
0x3c: {  	p2 =	seq.s32 s10, $0x1;
	s10 =	sld [smem:$0x3FB8]  }
0x3d: {  	_ =	shalt  }
0x3e: {  	_ =	shalt  }
0x3f: {  	_ =	shalt  }
0x40: {  	_ =	shalt  }
0x41: {  	_ =	shalt  }
0x42: {  	_ =	shalt  }
0x43: {  	_ =	shalt  }
0x44: {  	_ =	shalt  }
0x45: {  	_ =	shalt  }
0x46: {  	_ =	shalt  }
0x47: {  	_ =	shalt  }
0x48: {  	_ =	shalt  }
0x49: {  	_ =	shalt  }
0x4a: {  	_ =	shalt  }
0x4b: {  	_ =	shalt  }
0x4c: {  	_ =	shalt  }
0x4d: {  	_ =	shalt  }
0x4e: {  	_ =	shalt  }
0x4f: {  	_ =	shalt  }
0x50: {  	_ =	shalt  }
0x51: {  	_ =	shalt  }
0x52: {  	_ =	shalt  }
0x53: {  	_ =	shalt  }
0x54: {  	_ =	shalt  }
0x55: {  	_ =	shalt  }
0x56: {  	_ =	shalt  }
0x57: {  	_ =	shalt  }
0x58: {  	_ =	shalt  }
0x59: {  	_ =	shalt  }
0x5a: {  	_ =	shalt  }
0x5b: {  	_ =	shalt  }
0x5c: {  	_ =	shalt  }
0x5d: {  	_ =	shalt  }
0x5e: {  	_ =	shalt  }
0x5f: {  	_ =	shalt  }
0x60: {  	_ =	shalt  }
0x61: {  	_ =	shalt  }
0x62: {  	_ =	shalt  }
0x63: {  	_ =	shalt  }
0x64: {  	_ =	shalt  }
0x65: {  	_ =	shalt  }
0x66: {  	_ =	shalt  }
0x67: {  	_ =	shalt  }
0x68: {  	_ =	shalt  }
0x69: {  	_ =	shalt  }
0x6a: {  	_ =	shalt  }
0x6b: {  	_ =	shalt  }
0x6c: {  	_ =	shalt  }
0x6d: {  	_ =	shalt  }
0x6e: {  	_ =	shalt  }
0x6f: {  	_ =	shalt  }
0x70: {  	_ =	shalt  }
0x71: {  	_ =	shalt  }
0x72: {  	_ =	shalt  }
0x73: {  	_ =	shalt  }
0x74: {  	_ =	shalt  }
0x75: {  	_ =	shalt  }
0x76: {  	_ =	shalt  }
0x77: {  	_ =	shalt  }
0x78: {  	_ =	shalt  }
0x79: {  	_ =	shalt  }
0x7a: {  	_ =	shalt  }
0x7b: {  	_ =	shalt  }
0x7c: {  	_ =	shalt  }
0x7d: {  	_ =	shalt  }
0x7e: {  	_ =	shalt  }
0x7f: {  	_ =	shalt  }
0x80: {  	_ =	shalt  }
0x81: {  	_ =	shalt  }
0x82: {  	_ =	shalt  }
0x83: {  	_ =	shalt  }
0x84: {  	_ =	shalt  }
0x85: {  	_ =	shalt  }
0x86: {  	_ =	shalt  }
0x87: {  	_ =	shalt  }
.Lfunc_end0:
.L_simem_size_0:
called_computation_lowered:
.L_overlay_start_0:
0x88: {  	s2 =	sld [smem:$0x3FD9]  }
0x89: {  	s3 =	sld [smem:$0x3FFE];
	_ =	sdelay $0x1  }
0x8a: {  	s1 =	srdreg.scid  }
0x8b: {  	s0 =	sand.u32 $0x1, s1  }
0x8c: {  	s17 =	sshll.u32 s0, $0xA;
	s2 =	sadd.s32 s3, s2  }
0x8d: {  	s2 =	sadd.s32 s2, s17  }
0x8e: {  	[smem:$0x3FC4] =	sst s2  }
0x8f: {  	_ = 	snop  }
0x90: {  	s2 =	sld [smem:$0x3FC9]  }
0x91: {  	s18 =	sld [smem:$0x3FC8]  }
0x92: {  	s4 =	sld [smem:$0x3FC7]  }
0x93: {  	s5 =	sld [smem:$0x3FC6];
	(tm) =	ssettm $0x1  }
0x94: {  	s6 =	sld [smem:$0x3FFB];
	_ =	sdelay $0x3  }
0x95: {  	_ =	strace s6  }
0x96: {  	s6 =	sld [smem:$0x3FFC];
	_ =	sdelay $0x3  }
0x97: {  	_ =	strace s6  }
0x98: {  	s6 =	sld [smem:$0x3FFD];
	_ =	sdelay $0x3  }
0x99: {  	_ =	strace s6  }
0x9a: {  	_ =	strace $0x8FFFFFFF  }
0x9b: {  	s19 =	sld [smem:$0x3FDB];
	_ =	sdelay $0x1  }
0x9c: {  	s7 =	simm.s32 $_scs_section_size  }
0x9d: {  	s8 =	simm.s32 $_size__tile_overlayer_lowered;
	s9 =	simm.s32 $_tile_overlayer_lowered  }
0x9e: {  	s22 =	simm.s32 $0x1BFF;
	s21 =	sshll.u32 s9, $0x1;
	s6 =	sadd.s32 s7, s19  }
0x9f: {  	s10 =	simm.s32 $0x0;
	s20 =	sshll.u32 s8, $0x1;
	s8 =	sadd.s32 s21, s6  }
0xa0: {  	[timem:s10], [sflag:s22] =	dma.local [hbm:s8], s20  }
0xa1: {  	_ =	swait.ge [sflag:s22], s20  }
0xa2: {  	s7 =	ssub.s32 $0x0, s20;
	[sflag:s22] =	ssyncset.done $0x0  }
0xa3: {  	[sflag:s22] =	ssyncadd.s32 s7;
	_ =	sdelay $0x1  }
0xa4: {  	s23 =	simm.s32 $0x1B8B  }
0xa5: {  	_ =	swait.ge [sflag:s23], $0x1  }
0xa6: {  	[sflag:s23] =	ssyncset.done $0x0  }
0xa7: {  	s25 =	simm.s32 $0x1B8E;
	s24 =	sld [smem:$0x3FFE];
	[sflag:s23] =	ssyncadd.s32 $0xFFFFFFFF  }
0xa8: {  	s26 =	simm.s32 $execute0_lowered;
	[smem:$0x3FD2] =	sst s25  }
0xa9: {  	s8 =	sshll.u32 s26, $0x1;
	_ =	strace $0x80000046;
	[dreg:$0x1] =	wrdreg $0xFFFFFFFF  }
0xaa: {  	s28 =	simm.s32 $_size_execute0_lowered;
	s6 =	sadd.s32 s6, s8;
	[dreg:$0x0] =	wrdreg $0x0  }
0xab: {  	s8 =	sshll.u32 s28, $0x1;
	[dreg:$0x2] =	wrdreg s6  }
0xac: {  	[dreg:$0x3] =	wrdreg s8  }
0xad: {  	[dreg:$0x4] =	wrdreg $0xC0  }
0xae: {  	_ =	task [dreg:s10], $0x5FFFF  }
0xaf: {  	[dreg:$0x1] =	wrdreg $0xFFFFFFFF  }
0xb0: {  	[dreg:$0x0] =	wrdreg $0x60  }
0xb1: {  	[dreg:$0x2] =	wrdreg s2  }
0xb2: {  	[dreg:$0x3] =	wrdreg s18  }
0xb3: {  	[dreg:$0x4] =	wrdreg s4  }
0xb4: {  	[dreg:$0x5] =	wrdreg s5  }
0xb5: {  	[dreg:$0x6] =	wrdreg s24  }
0xb6: {  	[dreg:$0x7] =	wrdreg $0x9  }
0xb7: {  	_ =	task.clear_ibuf [dreg:s10], $0x8FFFF;
	_ =	strace $0x90000046  }
0xb8: {  	s29 =	simm.s32 $0x9;
	_ =	strace $0x80000048  }
0xb9: {  	_ =	swait.ge [sflag:s29], $0x1  }
0xba: {  	[sflag:s29] =	ssyncadd.s32 $0xFFFFFFFF  }
0xbb: {  	_ =	strace $0x90000048  }
0xbc: {  	_ =	sfence  }
0xbd: {  	s30 =	sld [smem:$0x0];
	_ =	sdelay $0x2  }
0xbe: {  	s31 =	sshll.u32 s1, $0xD;
	s1 =	sshrl.u32 s1, $0x2  }
0xbf: {  	s3 =	sand.u32 $0x4000, s31;
	s1 =	sadd.s32 s1, s30  }
0xc0: {  	s0 =	sor.u32 s3, s0;
	s1 =	sshll.u32 s1, $0x11  }
0xc1: {  	s0 =	sor.u32 s1, s0  }
0xc2: {  	s0 =	sadd.s32 $0x8F2B, s0  }
0xc3: {  	[sflag:s0] =	ssyncadd.remote.s32 $0x1  }
0xc4: {  	_ =	sfence.sel $0xFFFF  }
0xc5: {  	[dreg:$0x0] =	wrdreg $0xFFFFFFFF;
	(pc) =	sbr.abs _section_cstart, $3  }
0xc6: {  	[dreg:$0x1] =	wrdreg $0xFFFFFFFF  }
0xc7: {  	_ =	task.clear_ibuf [dreg:s10], $0x2FFFF;
	_ =	strace $0x9FFFFFFF  }
0xc8: {  	(tm) =	ssettm $0x7FFFFFFF  }
0xc9: {  	_ =	shalt  }
tec
execute0_lowered:
.L_overlay_start_1:
0x0: {  	(tag) =	ssettag $0x1  }
0x1: {  	s0 =	rddreg [dreg:$0x0]  }
0x2: {  	s3 =	rddreg [dreg:$0x1]  }
0x3: {  	s1 =	rddreg [dreg:$0x2]  }
0x4: {  	s2 =	rddreg [dreg:$0x3]  }
0x5: {  	s5 =	rddreg [dreg:$0x4];
	s6 =	srdreg.scid;
	s4 =	simm.s32 $0x0  }
0x6: {  	s7 =	stileid.u32;
	s10 =	simm.s32 $0x200;
	s12 =	simm.s32 $0x4800  }
0x7: {  	s17 =	simm.s32 $0x2000;
	s18 =	simm.s32 $0x6000;
	s19 =	simm.s32 $0x4000  }
0x8: {  	s20 =	simm.s32 $0x8000;
	s21 =	simm.s32 $0x2200;
	s22 =	simm.s32 $0x6200  }
0x9: {  	s23 =	simm.s32 $0x4200;
	s24 =	simm.s32 $0x8200;
	s25 =	simm.s32 $0x2400  }
0xa: {  	s28 =	simm.s32 $0x4400;
	s29 =	simm.s32 $0x8400;
	s30 =	simm.s32 $0x2600  }
0xb: {  	s31 =	simm.s32 $0x6600;
	s11 =	simm.s32 $0x1;
	s6 =	sand.u32 $0x1, s6  }
0xc: {  	s13 =	simm.s32 $0x0;
	s7 =	sshll.u32 s7, $0x7;
	s8 =	sshll.u32 s6, $0x6  }
0xd: {  	[smem:$0x7FF] =	sst s4;
	s6 =	ssub.s32 $0x2, s6;
	s7 =	sor.u32 s8, s7  }
0xe: {  	_ =	strace $0x80000047;
	s26 =	sshrl.u32 s6, $0x1;
	s9 =	sadd.s32 s7, s5  }
0xf: {  	s8 =	ssub.s32 s6, s26;
	s5 =	sadd.s32 s0, s7;
	s6 =	sadd.s32 s3, s7  }
0x10: {  	s26 =	simm.s32 $0x6400;
	s0 =	simm.s32 $0x4600;
	s3 =	simm.s32 $0x8600  }
0x11: {  	s7 =	sadd.s32 $0x400, s9;
	s8 =	smax.u32 s8, $0x1;
	s9 =	simm.s32 $0x2  }
.LBB2_1:
0x12: {  	[tilespmem:s4], [sflag:$0x2] =	stream.linear.gather [hbm4b:s5+s4], $0x200, $0x38;
	[tilespmem:$0x8800] =	vst v63  }
0x13: {  	_ =	swait.ge [sflag:s9], $0x200  }
0x14: {  	[sflag:s9] =	ssyncset.done $0x0  }
0x15: {  	[sflag:s9] =	ssyncadd.s32 $0xFFFFFE00  }
0x16: {  	[tilespmem:s10], [sflag:$0x2] =	stream.linear.gather [hbm4b:s6+s4], $0x200, $0x38;
	[tilespmem:$0x8800] =	vst v63  }
0x17: {  	_ =	swait.ge [sflag:s9], $0x200  }
0x18: {  	[sflag:s9] =	ssyncset.done $0x0  }
0x19: {  	s14 =	simm.s32 $0x0;
	[sflag:s9] =	ssyncadd.s32 $0xFFFFFE00  }
0x1a: {  	v0 =	vld [tilespmem:s14+$0x200]  }
0x1b: {  	v1 =	vld [tilespmem:s14+$0x0];
	_ =	sdelay $0x3  }
0x1c: {  	v2 =	vshll.u32 v0, $0x3  }
0x1d: {  	v3 =	vshll.u32 v1, $0x3;
	v0 =	vand.u32 $0x7F, v0;
	v2 =	vand.u32 $0xFFFFFC00, v2  }
0x1e: {  	v1 =	vand.u32 $0x7F, v1;
	v3 =	vand.u32 $0xFFFFFC00, v3;
	v0 =	vor.u32 v0, v2  }
0x1f: {  	v1 =	vor.u32 v1, v3;
	[tilespmem:s14+$0x600] =	vst v0;
	v2 =	vadd.s32 $0x7A1780, v0  }
0x20: {  	v3 =	vor.u32 $0x80, v1;
	[tilespmem:s14+$0x4600] =	vst v2  }
0x21: {  	v4 =	vadd.s32 $0x7A1600, v1;
	[tilespmem:s14+$0xA00] =	vst v3  }
0x22: {  	v7 =	vadd.s32 $0x7A1600, v0;
	[tilespmem:s14+$0x2000] =	vst v4  }
0x23: {  	v2 =	vor.u32 $0x80, v0;
	[tilespmem:s14+$0x4000] =	vst v7  }
0x24: {  	v3 =	vor.u32 $0x100, v1;
	[tilespmem:s14+$0x2A00] =	vst v2  }
0x25: {  	v2 =	vor.u32 $0x100, v0;
	[tilespmem:s14+$0xC00] =	vst v3  }
0x26: {  	v3 =	vor.u32 $0x180, v1;
	[tilespmem:s14+$0x2C00] =	vst v2  }
0x27: {  	v2 =	vor.u32 $0x180, v0;
	[tilespmem:s14+$0xE00] =	vst v3  }
0x28: {  	v3 =	vor.u32 $0x200, v1;
	[tilespmem:s14+$0x2E00] =	vst v2  }
0x29: {  	v2 =	vor.u32 $0x200, v0;
	[tilespmem:s14+$0x1000] =	vst v3  }
0x2a: {  	v3 =	vor.u32 $0x280, v1;
	[tilespmem:s14+$0x3000] =	vst v2  }
0x2b: {  	v2 =	vor.u32 $0x280, v0;
	[tilespmem:s14+$0x1200] =	vst v3  }
0x2c: {  	v3 =	vor.u32 $0x300, v1;
	[tilespmem:s14+$0x3200] =	vst v2  }
0x2d: {  	v2 =	vor.u32 $0x300, v0;
	[tilespmem:s14+$0x1400] =	vst v3  }
0x2e: {  	v3 =	vor.u32 $0x380, v1;
	[tilespmem:s14+$0x3400] =	vst v2  }
0x2f: {  	v2 =	vor.u32 $0x380, v0;
	[tilespmem:s14+$0x1600] =	vst v3  }
0x30: {  	v3 =	vadd.s32 $0x7A1400, v1;
	[tilespmem:s14+$0x3600] =	vst v2  }
0x31: {  	v2 =	vadd.s32 $0x7A1400, v0;
	[tilespmem:s14+$0x1800] =	vst v3  }
0x32: {  	v3 =	vadd.s32 $0x7A1480, v1;
	[tilespmem:s14+$0x3800] =	vst v2  }
0x33: {  	v2 =	vadd.s32 $0x7A1480, v0;
	[tilespmem:s14+$0x1A00] =	vst v3  }
0x34: {  	v3 =	vadd.s32 $0x7A1500, v1;
	[tilespmem:s14+$0x3A00] =	vst v2  }
0x35: {  	v2 =	vadd.s32 $0x7A1500, v0;
	[tilespmem:s14+$0x1C00] =	vst v3  }
0x36: {  	v6 =	vadd.s32 $0x7A1680, v1;
	v3 =	vadd.s32 $0x7A1580, v1;
	[tilespmem:s14+$0x3C00] =	vst v2  }
0x37: {  	v5 =	vadd.s32 $0x7A1780, v1;
	v2 =	vadd.s32 $0x7A1580, v0;
	[tilespmem:s14+$0x1E00] =	vst v3  }
0x38: {  	s15 =	simm.s32 $0x10;
	s16 =	simm.s32 $0x80;
	v4 =	vadd.s32 $0x7A1700, v1;
	v3 =	vadd.s32 $0x7A1680, v0;
	[tilespmem:s14+$0x3E00] =	vst v2;
	v2 =	vadd.s32 $0x7A1700, v0  }
.LBB2_2:
0x39: {  	p0 =	sne.s32 s16, $0x7C0;
	v7 =	vld [tilespmem:s15+$0x200];
	[tilespmem:s14+$0x2200] =	vst v6  }
0x3a: {  	v6 =	vld [tilespmem:s15+$0x0];
	[tilespmem:s14+$0x4200] =	vst v3  }
0x3b: {  	[tilespmem:s14+$0x2400] =	vst v4  }
0x3c: {  	[tilespmem:s14+$0x4400] =	vst v2  }
0x3d: {  	[tilespmem:s14+$0x2600] =	vst v5  }
0x3e: {  	v2 =	vshll.u32 v7, $0x3;
	[tilespmem:s14+$0x400] =	vst v1  }
0x3f: {  	v4 =	vand.u32 $0x7F, v7;
	v3 =	vshll.u32 v6, $0x3;
	v2 =	vand.u32 $0xFFFFFC00, v2;
	[tilespmem:s14+$0x800] =	vst v1  }
0x40: {  	v1 =	vand.u32 $0xFFFFFC00, v3;
	v3 =	vand.u32 $0x7F, v6;
	[tilespmem:s14+$0x2800] =	vst v0;
	v0 =	vor.u32 v4, v2;
	s14 =	smov.u32 s15  }
0x41: {  	v1 =	vor.u32 v3, v1;
	[tilespmem:s14+$0x600] =	vst v0;
	v2 =	vor.u32 $0x80, v0;
	v3 =	vadd.s32 $0x7A1780, v0  }
0x42: {  	v6 =	vor.u32 $0x100, v0;
	v4 =	vor.u32 $0x80, v1;
	v5 =	vor.u32 $0x100, v1;
	[tilespmem:s14+$0x4600] =	vst v3  }
0x43: {  	v3 =	vor.u32 $0x180, v1;
	v7 =	vor.u32 $0x200, v1;
	[tilespmem:s14+$0xA00] =	vst v4;
	v4 =	vor.u32 $0x180, v0  }
0x44: {  	v9 =	vor.u32 $0x280, v0;
	v8 =	vor.u32 $0x280, v1;
	[tilespmem:s14+$0x2A00] =	vst v2;
	v2 =	vor.u32 $0x200, v0  }
0x45: {  	v11 =	vor.u32 $0x300, v0;
	v10 =	vor.u32 $0x300, v1;
	v12 =	vor.u32 $0x380, v1;
	[tilespmem:s14+$0xC00] =	vst v5  }
0x46: {  	v13 =	vor.u32 $0x380, v0;
	v15 =	vadd.s32 $0x7A1400, v0;
	v14 =	vadd.s32 $0x7A1400, v1;
	[tilespmem:s14+$0x2C00] =	vst v6  }
0x47: {  	v17 =	vadd.s32 $0x7A1480, v0;
	v16 =	vadd.s32 $0x7A1480, v1;
	v18 =	vadd.s32 $0x7A1500, v1;
	[tilespmem:s14+$0xE00] =	vst v3  }
0x48: {  	v19 =	vadd.s32 $0x7A1500, v0;
	v21 =	vadd.s32 $0x7A1580, v0;
	v20 =	vadd.s32 $0x7A1580, v1;
	[tilespmem:s14+$0x2E00] =	vst v4  }
0x49: {  	v22 =	vadd.s32 $0x7A1600, v0;
	v6 =	vadd.s32 $0x7A1680, v1;
	[tilespmem:s14+$0x1000] =	vst v7;
	v7 =	vadd.s32 $0x7A1600, v1  }
0x4a: {  	v3 =	vadd.s32 $0x7A1680, v0;
	v4 =	vadd.s32 $0x7A1700, v1;
	[tilespmem:s14+$0x3000] =	vst v2;
	v2 =	vadd.s32 $0x7A1700, v0  }
0x4b: {  	v5 =	vadd.s32 $0x7A1780, v1;
	[tilespmem:s14+$0x1200] =	vst v8  }
0x4c: {  	[tilespmem:s14+$0x3200] =	vst v9  }
0x4d: {  	[tilespmem:s14+$0x1400] =	vst v10  }
0x4e: {  	[tilespmem:s14+$0x3400] =	vst v11  }
0x4f: {  	[tilespmem:s14+$0x1600] =	vst v12  }
0x50: {  	[tilespmem:s14+$0x3600] =	vst v13  }
0x51: {  	[tilespmem:s14+$0x1800] =	vst v14  }
0x52: {  	[tilespmem:s14+$0x3800] =	vst v15  }
0x53: {  	[tilespmem:s14+$0x1A00] =	vst v16  }
0x54: {  	[tilespmem:s14+$0x3A00] =	vst v17  }
0x55: {  	[tilespmem:s14+$0x1C00] =	vst v18  }
.Ltmp0:
0x56: {  	[tilespmem:s14+$0x3C00] =	vst v19;
	(pc) =	sbr.rel @p0 .LBB2_2-.Ltmp0, $4  }
0x57: {  	[tilespmem:s14+$0x1E00] =	vst v20  }
0x58: {  	[tilespmem:s14+$0x3E00] =	vst v21  }
0x59: {  	[tilespmem:s14+$0x2000] =	vst v7  }
0x5a: {  	s15 =	sshra.s32 s16, $0x2;
	s16 =	sadd.s32 $0x40, s16;
	[tilespmem:s14+$0x4000] =	vst v22  }
0x5b: {  	v7 =	vld [tilespmem:s15+$0x200];
	[tilespmem:s14+$0x2200] =	vst v6  }
0x5c: {  	v6 =	vld [tilespmem:s15+$0x0];
	[tilespmem:s14+$0x4200] =	vst v3  }
0x5d: {  	[tilespmem:s14+$0x2400] =	vst v4  }
0x5e: {  	[tilespmem:s14+$0x4400] =	vst v2  }
0x5f: {  	[tilespmem:s14+$0x2600] =	vst v5  }
0x60: {  	[tilespmem:s14+$0x400] =	vst v1;
	v29 =	vshll.u32 v7, $0x3  }
0x61: {  	[tilespmem:s14+$0x800] =	vst v1;
	v31 =	vand.u32 $0x7F, v7;
	v2 =	vand.u32 $0xFFFFFC00, v29  }
0x62: {  	[tilespmem:s14+$0x2800] =	vst v0;
	v2 =	vor.u32 v31, v2  }
0x63: {  	[tilespmem:s15+$0x600] =	vst v2  }
0x64: {  	v34 =	vadd.s32 $0x7A1780, v2;
	[tilespmem:s15+$0x2800] =	vst v2  }
0x65: {  	v36 =	vor.u32 $0x80, v2;
	[tilespmem:s15+$0x4600] =	vst v34  }
0x66: {  	v38 =	vor.u32 $0x100, v2;
	[tilespmem:s15+$0x2A00] =	vst v36  }
0x67: {  	v40 =	vor.u32 $0x180, v2;
	[tilespmem:s15+$0x2C00] =	vst v38  }
0x68: {  	v42 =	vor.u32 $0x200, v2;
	[tilespmem:s15+$0x2E00] =	vst v40  }
0x69: {  	v44 =	vor.u32 $0x280, v2;
	[tilespmem:s15+$0x3000] =	vst v42  }
0x6a: {  	v46 =	vor.u32 $0x300, v2;
	[tilespmem:s15+$0x3200] =	vst v44  }
0x6b: {  	v48 =	vor.u32 $0x380, v2;
	[tilespmem:s15+$0x3400] =	vst v46  }
0x6c: {  	v50 =	vadd.s32 $0x7A1400, v2;
	[tilespmem:s15+$0x3600] =	vst v48  }
0x6d: {  	v52 =	vadd.s32 $0x7A1480, v2;
	[tilespmem:s15+$0x3800] =	vst v50  }
0x6e: {  	v54 =	vadd.s32 $0x7A1500, v2;
	[tilespmem:s15+$0x3A00] =	vst v52  }
0x6f: {  	v56 =	vadd.s32 $0x7A1580, v2;
	[tilespmem:s15+$0x3C00] =	vst v54  }
0x70: {  	v58 =	vadd.s32 $0x7A1600, v2;
	[tilespmem:s15+$0x3E00] =	vst v56  }
0x71: {  	v30 =	vshll.u32 v6, $0x3;
	v60 =	vadd.s32 $0x7A1680, v2;
	[tilespmem:s15+$0x4000] =	vst v58  }
0x72: {  	v33 =	vand.u32 $0x7F, v6;
	v32 =	vand.u32 $0xFFFFFC00, v30;
	v62 =	vadd.s32 $0x7A1700, v2;
	[tilespmem:s15+$0x4200] =	vst v60  }
0x73: {  	v0 =	vor.u32 v33, v32;
	[tilespmem:s15+$0x4400] =	vst v62  }
0x74: {  	[tilespmem:s15+$0x400] =	vst v0  }
0x75: {  	v35 =	vor.u32 $0x80, v0;
	[tilespmem:s15+$0x800] =	vst v0  }
0x76: {  	v37 =	vor.u32 $0x100, v0;
	[tilespmem:s15+$0xA00] =	vst v35  }
0x77: {  	v39 =	vor.u32 $0x180, v0;
	[tilespmem:s15+$0xC00] =	vst v37  }
0x78: {  	v41 =	vor.u32 $0x200, v0;
	[tilespmem:s15+$0xE00] =	vst v39  }
0x79: {  	v43 =	vor.u32 $0x280, v0;
	[tilespmem:s15+$0x1000] =	vst v41  }
0x7a: {  	v45 =	vor.u32 $0x300, v0;
	[tilespmem:s15+$0x1200] =	vst v43  }
0x7b: {  	v47 =	vor.u32 $0x380, v0;
	[tilespmem:s15+$0x1400] =	vst v45  }
0x7c: {  	v49 =	vadd.s32 $0x7A1400, v0;
	[tilespmem:s15+$0x1600] =	vst v47  }
0x7d: {  	v51 =	vadd.s32 $0x7A1480, v0;
	[tilespmem:s15+$0x1800] =	vst v49  }
0x7e: {  	v53 =	vadd.s32 $0x7A1500, v0;
	[tilespmem:s15+$0x1A00] =	vst v51  }
0x7f: {  	v55 =	vadd.s32 $0x7A1580, v0;
	[tilespmem:s15+$0x1C00] =	vst v53  }
0x80: {  	v57 =	vadd.s32 $0x7A1600, v0;
	[tilespmem:s15+$0x1E00] =	vst v55  }
0x81: {  	v59 =	vadd.s32 $0x7A1680, v0;
	[tilespmem:s15+$0x2000] =	vst v57  }
0x82: {  	v61 =	vadd.s32 $0x7A1700, v0;
	[tilespmem:s15+$0x2200] =	vst v59  }
0x83: {  	v63 =	vadd.s32 $0x7A1780, v0;
	[tilespmem:s15+$0x2400] =	vst v61  }
0x84: {  	s16 =	simm.s32 $0x800;
	[tilespmem:s15+$0x2600] =	vst v63  }
0x85: {  	[tilespmem:s12], [sflag:$0x1] =	stream.indirect.gather [hbm4b:s1+s10], $0x1, s16, s10, $0xb8;
	[tilespmem:$0x8800] =	vst v63  }
0x86: {  	s15 =	simm.s32 $0x2800;
	s16 =	simm.s32 $0x6800  }
0x87: {  	[tilespmem:s16], [sflag:$0x1] =	stream.indirect.gather [hbm4b:s2+s10], $0x1, s15, s10, $0xb8;
	[tilespmem:$0x8800] =	vst v63  }
0x88: {  	s15 =	simm.s32 $0xA00;
	s16 =	simm.s32 $0x4A00  }
0x89: {  	[tilespmem:s16], [sflag:$0x1] =	stream.indirect.gather [hbm4b:s1+s10], $0x1, s15, s10, $0xb8;
	[tilespmem:$0x8800] =	vst v63  }
0x8a: {  	s15 =	simm.s32 $0x2A00;
	s16 =	simm.s32 $0x6A00  }
0x8b: {  	[tilespmem:s16], [sflag:$0x1] =	stream.indirect.gather [hbm4b:s2+s10], $0x1, s15, s10, $0xb8;
	[tilespmem:$0x8800] =	vst v63  }
0x8c: {  	s15 =	simm.s32 $0xC00;
	s16 =	simm.s32 $0x4C00  }
0x8d: {  	[tilespmem:s16], [sflag:$0x1] =	stream.indirect.gather [hbm4b:s1+s10], $0x1, s15, s10, $0xb8;
	[tilespmem:$0x8800] =	vst v63  }
0x8e: {  	s15 =	simm.s32 $0x2C00;
	s16 =	simm.s32 $0x6C00  }
0x8f: {  	[tilespmem:s16], [sflag:$0x1] =	stream.indirect.gather [hbm4b:s2+s10], $0x1, s15, s10, $0xb8;
	[tilespmem:$0x8800] =	vst v63  }
0x90: {  	s15 =	simm.s32 $0xE00;
	s16 =	simm.s32 $0x4E00  }
0x91: {  	[tilespmem:s16], [sflag:$0x1] =	stream.indirect.gather [hbm4b:s1+s10], $0x1, s15, s10, $0xb8;
	[tilespmem:$0x8800] =	vst v63  }
0x92: {  	s15 =	simm.s32 $0x2E00;
	s16 =	simm.s32 $0x6E00  }
0x93: {  	[tilespmem:s16], [sflag:$0x1] =	stream.indirect.gather [hbm4b:s2+s10], $0x1, s15, s10, $0xb8;
	[tilespmem:$0x8800] =	vst v63  }
0x94: {  	s15 =	simm.s32 $0x1000;
	s16 =	simm.s32 $0x5000  }
0x95: {  	[tilespmem:s16], [sflag:$0x1] =	stream.indirect.gather [hbm4b:s1+s10], $0x1, s15, s10, $0xb8;
	[tilespmem:$0x8800] =	vst v63  }
0x96: {  	s15 =	simm.s32 $0x3000;
	s16 =	simm.s32 $0x7000  }
0x97: {  	[tilespmem:s16], [sflag:$0x1] =	stream.indirect.gather [hbm4b:s2+s10], $0x1, s15, s10, $0xb8;
	[tilespmem:$0x8800] =	vst v63  }
0x98: {  	s15 =	simm.s32 $0x1200;
	s16 =	simm.s32 $0x5200  }
0x99: {  	[tilespmem:s16], [sflag:$0x1] =	stream.indirect.gather [hbm4b:s1+s10], $0x1, s15, s10, $0xb8;
	[tilespmem:$0x8800] =	vst v63  }
0x9a: {  	s15 =	simm.s32 $0x3200;
	s16 =	simm.s32 $0x7200  }
0x9b: {  	[tilespmem:s16], [sflag:$0x1] =	stream.indirect.gather [hbm4b:s2+s10], $0x1, s15, s10, $0xb8;
	[tilespmem:$0x8800] =	vst v63  }
0x9c: {  	s15 =	simm.s32 $0x1400;
	s16 =	simm.s32 $0x5400  }
0x9d: {  	[tilespmem:s16], [sflag:$0x1] =	stream.indirect.gather [hbm4b:s1+s10], $0x1, s15, s10, $0xb8;
	[tilespmem:$0x8800] =	vst v63  }
0x9e: {  	s15 =	simm.s32 $0x3400;
	s16 =	simm.s32 $0x7400  }
0x9f: {  	[tilespmem:s16], [sflag:$0x1] =	stream.indirect.gather [hbm4b:s2+s10], $0x1, s15, s10, $0xb8;
	[tilespmem:$0x8800] =	vst v63  }
0xa0: {  	s15 =	simm.s32 $0x1600;
	s16 =	simm.s32 $0x5600  }
0xa1: {  	[tilespmem:s16], [sflag:$0x1] =	stream.indirect.gather [hbm4b:s1+s10], $0x1, s15, s10, $0xb8;
	[tilespmem:$0x8800] =	vst v63  }
0xa2: {  	s15 =	simm.s32 $0x3600;
	s16 =	simm.s32 $0x7600  }
0xa3: {  	[tilespmem:s16], [sflag:$0x1] =	stream.indirect.gather [hbm4b:s2+s10], $0x1, s15, s10, $0xb8;
	[tilespmem:$0x8800] =	vst v63  }
0xa4: {  	s15 =	simm.s32 $0x1800;
	s16 =	simm.s32 $0x5800  }
0xa5: {  	[tilespmem:s16], [sflag:$0x1] =	stream.indirect.gather [hbm4b:s1+s10], $0x1, s15, s10, $0xb8;
	[tilespmem:$0x8800] =	vst v63  }
0xa6: {  	s15 =	simm.s32 $0x3800;
	s16 =	simm.s32 $0x7800  }
0xa7: {  	[tilespmem:s16], [sflag:$0x1] =	stream.indirect.gather [hbm4b:s2+s10], $0x1, s15, s10, $0xb8;
	[tilespmem:$0x8800] =	vst v63  }
0xa8: {  	s15 =	simm.s32 $0x1A00;
	s16 =	simm.s32 $0x5A00  }
0xa9: {  	[tilespmem:s16], [sflag:$0x1] =	stream.indirect.gather [hbm4b:s1+s10], $0x1, s15, s10, $0xb8;
	[tilespmem:$0x8800] =	vst v63  }
0xaa: {  	s15 =	simm.s32 $0x3A00;
	s16 =	simm.s32 $0x7A00  }
0xab: {  	[tilespmem:s16], [sflag:$0x1] =	stream.indirect.gather [hbm4b:s2+s10], $0x1, s15, s10, $0xb8;
	[tilespmem:$0x8800] =	vst v63  }
0xac: {  	s15 =	simm.s32 $0x1C00;
	s16 =	simm.s32 $0x5C00  }
0xad: {  	[tilespmem:s16], [sflag:$0x1] =	stream.indirect.gather [hbm4b:s1+s10], $0x1, s15, s10, $0xb8;
	[tilespmem:$0x8800] =	vst v63  }
0xae: {  	s15 =	simm.s32 $0x3C00;
	s16 =	simm.s32 $0x7C00  }
0xaf: {  	[tilespmem:s16], [sflag:$0x1] =	stream.indirect.gather [hbm4b:s2+s10], $0x1, s15, s10, $0xb8;
	[tilespmem:$0x8800] =	vst v63  }
0xb0: {  	s15 =	simm.s32 $0x1E00;
	s16 =	simm.s32 $0x5E00  }
0xb1: {  	[tilespmem:s16], [sflag:$0x1] =	stream.indirect.gather [hbm4b:s1+s10], $0x1, s15, s10, $0xb8;
	[tilespmem:$0x8800] =	vst v63  }
0xb2: {  	s15 =	simm.s32 $0x3E00;
	s16 =	simm.s32 $0x7E00  }
0xb3: {  	[tilespmem:s16], [sflag:$0x1] =	stream.indirect.gather [hbm4b:s2+s10], $0x1, s15, s10, $0xb8;
	[tilespmem:$0x8800] =	vst v63  }
0xb4: {  	_ = 	snop  }
0xb5: {  	[tilespmem:s18], [sflag:$0x1] =	stream.indirect.gather [hbm4b:s1+s10], $0x1, s17, s10, $0xb8;
	[tilespmem:$0x8800] =	vst v63  }
0xb6: {  	_ = 	snop  }
0xb7: {  	[tilespmem:s20], [sflag:$0x1] =	stream.indirect.gather [hbm4b:s2+s10], $0x1, s19, s10, $0xb8;
	[tilespmem:$0x8800] =	vst v63  }
0xb8: {  	_ = 	snop  }
0xb9: {  	[tilespmem:s22], [sflag:$0x1] =	stream.indirect.gather [hbm4b:s1+s10], $0x1, s21, s10, $0xb8;
	[tilespmem:$0x8800] =	vst v63  }
0xba: {  	_ = 	snop  }
0xbb: {  	[tilespmem:s24], [sflag:$0x1] =	stream.indirect.gather [hbm4b:s2+s10], $0x1, s23, s10, $0xb8;
	[tilespmem:$0x8800] =	vst v63  }
0xbc: {  	_ = 	snop  }
0xbd: {  	[tilespmem:s26], [sflag:$0x1] =	stream.indirect.gather [hbm4b:s1+s10], $0x1, s25, s10, $0xb8;
	[tilespmem:$0x8800] =	vst v63  }
0xbe: {  	_ = 	snop  }
0xbf: {  	[tilespmem:s29], [sflag:$0x1] =	stream.indirect.gather [hbm4b:s2+s10], $0x1, s28, s10, $0xb8;
	[tilespmem:$0x8800] =	vst v63  }
0xc0: {  	_ = 	snop  }
0xc1: {  	[tilespmem:s31], [sflag:$0x1] =	stream.indirect.gather [hbm4b:s1+s10], $0x1, s30, s10, $0xb8;
	[tilespmem:$0x8800] =	vst v63  }
0xc2: {  	_ = 	snop  }
0xc3: {  	[tilespmem:s3], [sflag:$0x1] =	stream.indirect.gather [hbm4b:s2+s10], $0x1, s0, s10, $0xb8;
	[tilespmem:$0x8800] =	vst v63  }
0xc4: {  	_ =	swait.ge [sflag:s11], $0x200  }
0xc5: {  	[sflag:s11] =	ssyncset.done $0x0  }
0xc6: {  	[sflag:s11] =	ssyncadd.s32 $0xFFFFFE00  }
0xc7: {  	_ =	swait.ge [sflag:s11], $0x200  }
0xc8: {  	[sflag:s11] =	ssyncset.done $0x0  }
0xc9: {  	[sflag:s11] =	ssyncadd.s32 $0xFFFFFE00  }
0xca: {  	_ =	swait.ge [sflag:s11], $0x200  }
0xcb: {  	[sflag:s11] =	ssyncset.done $0x0  }
0xcc: {  	[sflag:s11] =	ssyncadd.s32 $0xFFFFFE00  }
0xcd: {  	_ =	swait.ge [sflag:s11], $0x200  }
0xce: {  	[sflag:s11] =	ssyncset.done $0x0  }
0xcf: {  	[sflag:s11] =	ssyncadd.s32 $0xFFFFFE00  }
0xd0: {  	_ =	swait.ge [sflag:s11], $0x200  }
0xd1: {  	[sflag:s11] =	ssyncset.done $0x0  }
0xd2: {  	[sflag:s11] =	ssyncadd.s32 $0xFFFFFE00  }
0xd3: {  	_ =	swait.ge [sflag:s11], $0x200  }
0xd4: {  	[sflag:s11] =	ssyncset.done $0x0  }
0xd5: {  	[sflag:s11] =	ssyncadd.s32 $0xFFFFFE00  }
0xd6: {  	_ =	swait.ge [sflag:s11], $0x200  }
0xd7: {  	[sflag:s11] =	ssyncset.done $0x0  }
0xd8: {  	[sflag:s11] =	ssyncadd.s32 $0xFFFFFE00  }
0xd9: {  	_ =	swait.ge [sflag:s11], $0x200  }
0xda: {  	[sflag:s11] =	ssyncset.done $0x0  }
0xdb: {  	[sflag:s11] =	ssyncadd.s32 $0xFFFFFE00  }
0xdc: {  	_ =	swait.ge [sflag:s11], $0x200  }
0xdd: {  	[sflag:s11] =	ssyncset.done $0x0  }
0xde: {  	[sflag:s11] =	ssyncadd.s32 $0xFFFFFE00  }
0xdf: {  	_ =	swait.ge [sflag:s11], $0x200  }
0xe0: {  	[sflag:s11] =	ssyncset.done $0x0  }
0xe1: {  	[sflag:s11] =	ssyncadd.s32 $0xFFFFFE00  }
0xe2: {  	_ =	swait.ge [sflag:s11], $0x200  }
0xe3: {  	[sflag:s11] =	ssyncset.done $0x0  }
0xe4: {  	[sflag:s11] =	ssyncadd.s32 $0xFFFFFE00  }
0xe5: {  	_ =	swait.ge [sflag:s11], $0x200  }
0xe6: {  	[sflag:s11] =	ssyncset.done $0x0  }
0xe7: {  	[sflag:s11] =	ssyncadd.s32 $0xFFFFFE00  }
0xe8: {  	_ =	swait.ge [sflag:s11], $0x200  }
0xe9: {  	[sflag:s11] =	ssyncset.done $0x0  }
0xea: {  	[sflag:s11] =	ssyncadd.s32 $0xFFFFFE00  }
0xeb: {  	_ =	swait.ge [sflag:s11], $0x200  }
0xec: {  	[sflag:s11] =	ssyncset.done $0x0  }
0xed: {  	[sflag:s11] =	ssyncadd.s32 $0xFFFFFE00  }
0xee: {  	_ =	swait.ge [sflag:s11], $0x200  }
0xef: {  	[sflag:s11] =	ssyncset.done $0x0  }
0xf0: {  	[sflag:s11] =	ssyncadd.s32 $0xFFFFFE00  }
0xf1: {  	_ =	swait.ge [sflag:s11], $0x200  }
0xf2: {  	[sflag:s11] =	ssyncset.done $0x0  }
0xf3: {  	[sflag:s11] =	ssyncadd.s32 $0xFFFFFE00  }
0xf4: {  	_ =	swait.ge [sflag:s11], $0x200  }
0xf5: {  	[sflag:s11] =	ssyncset.done $0x0  }
0xf6: {  	[sflag:s11] =	ssyncadd.s32 $0xFFFFFE00  }
0xf7: {  	_ =	swait.ge [sflag:s11], $0x200  }
0xf8: {  	[sflag:s11] =	ssyncset.done $0x0  }
0xf9: {  	[sflag:s11] =	ssyncadd.s32 $0xFFFFFE00  }
0xfa: {  	_ =	swait.ge [sflag:s11], $0x200  }
0xfb: {  	[sflag:s11] =	ssyncset.done $0x0  }
0xfc: {  	[sflag:s11] =	ssyncadd.s32 $0xFFFFFE00  }
0xfd: {  	_ =	swait.ge [sflag:s11], $0x200  }
0xfe: {  	[sflag:s11] =	ssyncset.done $0x0  }
0xff: {  	[sflag:s11] =	ssyncadd.s32 $0xFFFFFE00  }
0x100: {  	_ =	swait.ge [sflag:s11], $0x200  }
0x101: {  	[sflag:s11] =	ssyncset.done $0x0  }
0x102: {  	[sflag:s11] =	ssyncadd.s32 $0xFFFFFE00  }
0x103: {  	_ =	swait.ge [sflag:s11], $0x200  }
0x104: {  	[sflag:s11] =	ssyncset.done $0x0  }
0x105: {  	[sflag:s11] =	ssyncadd.s32 $0xFFFFFE00  }
0x106: {  	_ =	swait.ge [sflag:s11], $0x200  }
0x107: {  	[sflag:s11] =	ssyncset.done $0x0  }
0x108: {  	[sflag:s11] =	ssyncadd.s32 $0xFFFFFE00  }
0x109: {  	_ =	swait.ge [sflag:s11], $0x200  }
0x10a: {  	[sflag:s11] =	ssyncset.done $0x0  }
0x10b: {  	[sflag:s11] =	ssyncadd.s32 $0xFFFFFE00  }
0x10c: {  	_ =	swait.ge [sflag:s11], $0x200  }
0x10d: {  	[sflag:s11] =	ssyncset.done $0x0  }
0x10e: {  	[sflag:s11] =	ssyncadd.s32 $0xFFFFFE00  }
0x10f: {  	_ =	swait.ge [sflag:s11], $0x200  }
0x110: {  	[sflag:s11] =	ssyncset.done $0x0  }
0x111: {  	[sflag:s11] =	ssyncadd.s32 $0xFFFFFE00  }
0x112: {  	_ =	swait.ge [sflag:s11], $0x200  }
0x113: {  	[sflag:s11] =	ssyncset.done $0x0  }
0x114: {  	[sflag:s11] =	ssyncadd.s32 $0xFFFFFE00  }
0x115: {  	_ =	swait.ge [sflag:s11], $0x200  }
0x116: {  	[sflag:s11] =	ssyncset.done $0x0  }
0x117: {  	[sflag:s11] =	ssyncadd.s32 $0xFFFFFE00  }
0x118: {  	_ =	swait.ge [sflag:s11], $0x200  }
0x119: {  	[sflag:s11] =	ssyncset.done $0x0  }
0x11a: {  	[sflag:s11] =	ssyncadd.s32 $0xFFFFFE00  }
0x11b: {  	_ =	swait.ge [sflag:s11], $0x200  }
0x11c: {  	[sflag:s11] =	ssyncset.done $0x0  }
0x11d: {  	[sflag:s11] =	ssyncadd.s32 $0xFFFFFE00  }
0x11e: {  	_ =	swait.ge [sflag:s11], $0x200  }
0x11f: {  	[sflag:s11] =	ssyncset.done $0x0  }
0x120: {  	[sflag:s11] =	ssyncadd.s32 $0xFFFFFE00  }
0x121: {  	s13 =	sadd.s32 $0x1, s13;
	_ =	swait.ge [sflag:s11], $0x200  }
0x122: {  	p0 =	sne.s32 s13, s8;
	[sflag:s11] =	ssyncset.done $0x0  }
.Ltmp1:
0x123: {  	[sflag:s11] =	ssyncadd.s32 $0xFFFFFE00;
	(pc) =	sbr.rel @p0 .LBB2_1-.Ltmp1, $4  }
0x124: {  	[hbm4b:s7+s10] =	stream.strided.scatter [tilespmem:s12], [sflag:$0x2], $0x4000, s19, s10, $0x38;
	[tilespmem:$0x8800] =	vst v63  }
0x125: {  	_ =	swait.ge [sflag:s9], $0x4000  }
0x126: {  	[sflag:s9] =	ssyncset.done $0x0  }
0x127: {  	[sflag:s9] =	ssyncadd.s32 $0xFFFFC000  }
0x128: {  	_ =	sfence.sel $0x180000  }
0x129: {  	[bflag:$0x0] =	sbarrier.arrive $0xFFFF  }
0x12a: {  	_ =	strace $0x90000047  }
0x12b: {  	s0 =	stileid.u32;
	[bflag:$0x2] =	sbarrier.arrive $0xFFFF  }
0x12c: {  	p0 =	sne.s32 s0, $0x0;
	s0 =	rddreg [dreg:$0x5]  }
0x12d: {  	s0 =	sadd.s32 @!p0 $0x100000, s0  }
0x12e: {  	[sflag:s0] =	ssyncadd.tile.s32 @!p0 $0x1;
	_ =	shalt  }
.Lfunc_end2:
_tile_overlayer_lowered:
.L_overlay_start_2:
0x12f: {  	(tag) =	ssettag $0x2  }
0x130: {  	s0 =	rddreg [dreg:$0x0];
	s2 =	stileid.u32  }
0x131: {  	s1 =	rddreg [dreg:$0x1];
	p0 =	sne.s32 s2, $0x0  }
0x132: {  	s3 =	rddreg [dreg:$0x2];
	[bflag:$0x3] =	sbarrier.arrive $0xFFFF;
	s2 =	simm.s32 @!p0 $0x1C02  }
0x133: {  	[timem:s3], [sflag:s2] =	dma.local @!p0 [hbm:s0], s1  }
0x134: {  	s0 =	simm.s32 @!p0 $0x2  }
0x135: {  	_ =	swait.ge @!p0 [sflag:s0], s1  }
0x136: {  	s1 =	ssub.s32 @!p0 $0x0, s1;
	[sflag:s0] =	ssyncset.done @!p0 $0x0  }
0x137: {  	[sflag:s0] =	ssyncadd.s32 @!p0 s1  }
0x138: {  	[bflag:$0x3] =	sbarrier.arrive $0xFFFF  }
0x139: {  	_ =	shalt  }

</sc_bundles>
